<compile_context>
chip_gen: v7x
topology: tpu7x:2x2x1
jax: 0.10.2.dev20260603
libtpu: 0.0.44.dev20260713+nightly
codegen_flags: <defaults>
</compile_context>

<pallas_src>
import functools

import jax
import jax.numpy as jnp
from jax import lax
from jax.experimental import pallas as pl
from jax.experimental.pallas import tpu as pltpu
from jax.experimental.pallas import tpu_sc as plsc

N = 10000
E = 320000
D = 128
NB = 10
NIDX = 2048

NC = 2
NS = 16
NW = NC * NS

NPAD = 10240
CH = 128
CPT = 79
EPT = CPT * CH
EPAD = NW * EPT
DUMP = NIDX
TBL = NIDX + CH
PB = 10240
NBMAX = PB // CH
KI = NIDX // NS

_mesh = plsc.VectorSubcoreMesh(core_axis_name="c", subcore_axis_name="s")
_CP = pltpu.CompilerParams(needs_layout_passes=False)


@functools.partial(
    pl.kernel,
    out_type=(
        jax.ShapeDtypeStruct((2 * NIDX, D), jnp.float32),
        jax.ShapeDtypeStruct((2 * NIDX, D), jnp.float32),
    ),
    mesh=_mesh,
    compiler_params=_CP,
    scratch_types=[
        pltpu.VMEM((NPAD,), jnp.int32),
        pltpu.VMEM((NIDX,), jnp.int32),
        pltpu.VMEM((EPT,), jnp.int32),
        pltpu.VMEM((EPT,), jnp.int32),
        pltpu.VMEM((PB,), jnp.int32),
        pltpu.VMEM((PB,), jnp.int32),
        pltpu.VMEM((NBMAX, CH), jnp.int32),
        pltpu.VMEM((CH, D), jnp.float32),
        pltpu.VMEM((CH, D), jnp.float32),
        pltpu.VMEM((KI,), jnp.int32),
        pltpu.VMEM_SHARED((TBL, D), jnp.float32),
        pltpu.VMEM_SHARED((TBL, D), jnp.float32),
        pltpu.SemaphoreType.DMA,
    ],
)
def _seg_pool(x_hbm, src_hbm, dst_hbm, idx_hbm, rinit_hbm, zsrc_hbm,
              ones_hbm, zrow_hbm,
              ga, gc,
              rmp_v, idx_v, srcs_v, dsts_v, csrc_v, cslot_v, cslot2d,
              rows_v, ones_v, gidx_v, acc_sh, cnt_sh, sem):
    c = lax.axis_index("c")
    s = lax.axis_index("s")
    wid = c * NS + s

    pltpu.sync_copy(rinit_hbm, rmp_v)
    pltpu.sync_copy(idx_hbm, idx_v)

    @pl.loop(0, NIDX // 16)
    def _(j):
        ivec = idx_v[pl.ds(j * 16, 16)]
        svec = j * 16 + lax.broadcasted_iota(jnp.int32, (16,), 0)
        plsc.store_scatter(rmp_v, [ivec], svec)

    pltpu.sync_copy(zrow_hbm, rows_v)
    r0 = s * (TBL // NS)
    pltpu.sync_copy(rows_v, acc_sh.at[pl.ds(r0, CH)])
    pltpu.sync_copy(rows_v.at[pl.ds(0, TBL // NS - CH)],
                    acc_sh.at[pl.ds(r0 + CH, TBL // NS - CH)])
    pltpu.sync_copy(rows_v, cnt_sh.at[pl.ds(r0, CH)])
    pltpu.sync_copy(rows_v.at[pl.ds(0, TBL // NS - CH)],
                    cnt_sh.at[pl.ds(r0 + CH, TBL // NS - CH)])
    pltpu.sync_copy(ones_hbm, ones_v)

    pltpu.sync_copy(src_hbm.at[pl.ds(wid * EPT, EPT)], srcs_v)
    pltpu.sync_copy(dst_hbm.at[pl.ds(wid * EPT, EPT)], dsts_v)
    pltpu.sync_copy(zsrc_hbm, csrc_v)
    pltpu.sync_copy(rinit_hbm.at[pl.ds(0, PB)], cslot_v)
    plsc.subcore_barrier()

    def fbody(j, wp):
        dvec = dsts_v[pl.ds(j * 16, 16)]
        svec = srcs_v[pl.ds(j * 16, 16)]
        rvec = plsc.load_gather(rmp_v, [dvec])
        m = rvec < DUMP
        plsc.store_compressed(cslot_v.at[pl.ds(wp, 16)], rvec, mask=m)
        plsc.store_compressed(csrc_v.at[pl.ds(wp, 16)], svec, mask=m)
        return wp + plsc.all_reduce_population_count(m)[0]

    wp = lax.fori_loop(0, EPT // 16, fbody, 0)
    nb = (wp + CH - 1) // CH

    @pl.loop(0, nb * (CH // 16))
    def _(k):
        row = k // (CH // 16)
        lane = (k % (CH // 16)) * 16
        cslot2d[row, pl.ds(lane, 16)] = cslot_v[pl.ds(k * 16, 16)]

    @pl.loop(0, nb)
    def _(t):
        pltpu.async_copy(x_hbm.at[csrc_v.at[pl.ds(t * CH, CH)]], rows_v, sem).wait()
        pltpu.sync_copy(rows_v, acc_sh.at[cslot2d.at[t]], add=True)
        pltpu.sync_copy(ones_v, cnt_sh.at[cslot2d.at[t]], add=True)

    plsc.subcore_barrier()

    @pl.loop(0, KI // 16)
    def _(j):
        ivec = idx_v[pl.ds(s * KI + j * 16, 16)]
        slotv = plsc.load_gather(rmp_v, [ivec])
        gidx_v[pl.ds(j * 16, 16)] = slotv

    base = c * NIDX + s * KI
    pltpu.async_copy(acc_sh.at[gidx_v], rows_v, sem).wait()
    pltpu.sync_copy(rows_v, ga.at[pl.ds(base, KI)])
    pltpu.async_copy(cnt_sh.at[gidx_v], rows_v, sem).wait()
    pltpu.sync_copy(rows_v, gc.at[pl.ds(base, KI)])


def _dense_body(ga, gc, w_ref, pw_ref, lab_ref, out_ref):
    agg = ga[0:NIDX, :] + ga[NIDX:2 * NIDX, :]
    cnt = (gc[0:NIDX, :] + gc[NIDX:2 * NIDX, :])[:, 0:1]
    h = agg / jnp.maximum(cnt, 1.0)
    e = jax.lax.dot_general(h, w_ref[...], (((1,), (0,)), ((), ())),
                            preferred_element_type=jnp.float32)
    e = jnp.maximum(e, 0.0) * pw_ref[...]
    lab = lab_ref[...]
    cid = jax.lax.broadcasted_iota(jnp.int32, (NIDX, D), 1)
    oh = (lab == cid).astype(jnp.float32)
    sums = jax.lax.dot_general(oh, e, (((0,), (0,)), ((), ())),
                               preferred_element_type=jnp.float32)
    ones_col = jnp.full((NIDX, 1), 1.0, jnp.float32)
    counts = jax.lax.dot_general(oh, ones_col, (((0,), (0,)), ((), ())),
                                 preferred_element_type=jnp.float32)
    ave = sums / jnp.maximum(counts, 1.0)
    rn = e / jnp.maximum(jnp.sqrt(jnp.sum(e * e, axis=1, keepdims=True)), 1e-12)
    an = ave / jnp.maximum(jnp.sqrt(jnp.sum(ave * ave, axis=1, keepdims=True)), 1e-12)
    logits = jax.lax.dot_general(rn, an, (((1,), (1,)), ((), ())),
                                 preferred_element_type=jnp.float32)
    out_ref[...] = logits[:, :NB]


_dense = pl.pallas_call(
    _dense_body,
    out_shape=jax.ShapeDtypeStruct((NIDX, NB), jnp.float32),
)


def kernel(x, gcn_weight, prompt_w, edge_index, idx, labels):
    src = edge_index[0]
    dst = edge_index[1]
    pad = EPAD - E
    src_p = jnp.concatenate([src, jnp.zeros((pad,), jnp.int32)])
    dst_p = jnp.concatenate([dst, jnp.full((pad,), N, jnp.int32)])
    rinit = jnp.full((NPAD,), DUMP, jnp.int32)
    zsrc = jnp.zeros((PB,), jnp.int32)
    ones_rows = jnp.ones((CH, D), jnp.float32)
    zrow = jnp.zeros((CH, D), jnp.float32)
    ga, gc = _seg_pool(x, src_p, dst_p, idx, rinit, zsrc, ones_rows, zrow)
    labels2d = labels.reshape(NIDX, 1)
    return _dense(ga, gc, gcn_weight, prompt_w, labels2d)

# --- scband reference (transcript-rebuilt; emitter-appended) ---
"""Pipeline reference for scband-downprompt-38439957299964 (READ-ONLY COPY).

The authoritative reference and input builder live on the scoring server;
editing this copy changes nothing except your own understanding.
"""

import jax, jax.numpy as jnp
import numpy as np

N = 10000
E = 320000
D = 128
NB = 10
NIDX = 2048


def setup_inputs(seed: int = 0) -> dict:
    key = jax.random.key(seed)
    ks = jax.random.split(key, 8)
    x = jax.random.normal(ks[0], (N, D), dtype=jnp.float32)
    edge_index = jax.random.randint(ks[1], (2, E), 0, N, dtype=jnp.int32)
    idx = jax.random.randint(ks[2], (NIDX,), 0, N, dtype=jnp.int32)
    labels = jax.random.randint(ks[3], (NIDX,), 0, NB, dtype=jnp.int32)
    # gcn is a callable module in the original; here its single learned weight
    # (glorot-scaled) is materialized and the gcn is defined inside reference().
    gcn_weight = jax.random.normal(ks[4], (D, D), dtype=jnp.float32) * (1.0 / np.sqrt(D))
    # downstreamprompt (graphprompt) weight is initialized to ones per reset_parameters
    prompt_w = jnp.ones((1, D), dtype=jnp.float32)
    return {"x": x, "gcn_weight": gcn_weight, "prompt_w": prompt_w,
            "edge_index": edge_index, "idx": idx, "labels": labels}


def _gcn(x, W, edge_index):
    # simple mean-aggregation GCN layer standing in for the `gcn` callable arg
    src = edge_index[0]
    dst = edge_index[1]
    agg = jax.ops.segment_sum(x[src], dst, num_segments=N)
    deg = jax.ops.segment_sum(jnp.ones((E,), x.dtype), dst, num_segments=N)
    h = agg / jnp.maximum(deg, 1.0)[:, None]
    return jnp.maximum(h @ W, 0.0)


def reference(x, gcn_weight, prompt_w, edge_index, idx, labels):
    # usemlp == 'no', type == 'Graphprompt' branch of downprompt.forward
    embed = _gcn(x, gcn_weight, edge_index)
    embed = prompt_w * embed  # downstreamprompt: elementwise learned scale
    # node-level task: gather support embeddings
    rawret = embed[idx]
    # averageemb: per-class mean prototype via scatter-mean
    sums = jax.ops.segment_sum(rawret, labels, num_segments=NB)
    cnts = jax.ops.segment_sum(jnp.ones((NIDX,), rawret.dtype), labels, num_segments=NB)
    ave = sums / jnp.maximum(cnts, 1.0)[:, None]
    # cosine-similarity logits between query embeddings and class prototypes
    allr = jnp.concatenate([rawret, ave], axis=0)
    allr = allr / jnp.maximum(jnp.linalg.norm(allr, axis=-1, keepdims=True), 1e-12)
    sim = allr @ allr.T
    logits = sim[:NIDX, NIDX:]
    return logits

if __name__ == "__main__":
    import jax
    _d = setup_inputs()
    print(jax.jit(kernel)(*tuple(_d.values())))

</pallas_src>

<mosaic_0001>
#map = affine_map<(d0, d1) -> (0, 0)>
#map1 = affine_map<(d0, d1) -> (0)>
module attributes {stable_mosaic.version = 14 : i64} {
  func.func @_seg_pool(%arg0: i32, %arg1: i32, %arg2: memref<10000x128xf32, #tpu.memory_space<hbm>>, %arg3: memref<323584xi32, #tpu.memory_space<hbm>>, %arg4: memref<323584xi32, #tpu.memory_space<hbm>>, %arg5: memref<2048xi32, #tpu.memory_space<hbm>>, %arg6: memref<10240xi32, #tpu.memory_space<hbm>>, %arg7: memref<10240xi32, #tpu.memory_space<hbm>>, %arg8: memref<128x128xf32, #tpu.memory_space<hbm>>, %arg9: memref<128x128xf32, #tpu.memory_space<hbm>>, %arg10: memref<4096x128xf32, #tpu.memory_space<hbm>>, %arg11: memref<4096x128xf32, #tpu.memory_space<hbm>>, %arg12: memref<10240xi32, #tpu.memory_space<vmem>>, %arg13: memref<2048xi32, #tpu.memory_space<vmem>>, %arg14: memref<10112xi32, #tpu.memory_space<vmem>>, %arg15: memref<10112xi32, #tpu.memory_space<vmem>>, %arg16: memref<10240xi32, #tpu.memory_space<vmem>>, %arg17: memref<10240xi32, #tpu.memory_space<vmem>>, %arg18: memref<80x128xi32, #tpu.memory_space<vmem>>, %arg19: memref<128x128xf32, #tpu.memory_space<vmem>>, %arg20: memref<128x128xf32, #tpu.memory_space<vmem>>, %arg21: memref<128xi32, #tpu.memory_space<vmem>>, %arg22: memref<2176x128xf32, #tpu.memory_space<vmem_shared>>, %arg23: memref<2176x128xf32, #tpu.memory_space<vmem_shared>>, %arg24: memref<!tpu.dma_semaphore, #tpu.memory_space<semaphore_mem>>) attributes {dimension_semantics = [#tpu.dimension_semantics<core_parallel>, #tpu.dimension_semantics<subcore_parallel>], iteration_bounds = array<i64: 2, 16>, scalar_prefetch = 0 : i64, scratch_operands = 13 : i64, tpu.core_type = #tpu.core_type<sc_vector_subcore>, window_params = [{transform_indices = #map}, {transform_indices = #map1}, {transform_indices = #map1}, {transform_indices = #map1}, {transform_indices = #map1}, {transform_indices = #map1}, {transform_indices = #map}, {transform_indices = #map}, {transform_indices = #map}, {transform_indices = #map}]} {
    %mul3A = arith.constant 16 : i32
    %mul3A_0 = arith.muli %arg0, %mul3A : i32
    %add3A = arith.addi %mul3A_0, %arg1 : i32
    "tpu.region"() ({
      %run_scoped3A = tpu.sem_alloc : memref<!tpu.dma_semaphore, #tpu.memory_space<semaphore_mem>>
      tpu.enqueue_dma source(%arg6 : memref<10240xi32, #tpu.memory_space<hbm>>) target(%arg12 : memref<10240xi32, #tpu.memory_space<vmem>>) target_semaphore(%run_scoped3A : memref<!tpu.dma_semaphore, #tpu.memory_space<semaphore_mem>>)
      tpu.wait_dma2 semaphore(%run_scoped3A : memref<!tpu.dma_semaphore, #tpu.memory_space<semaphore_mem>>) src(%arg6 : memref<10240xi32, #tpu.memory_space<hbm>>) dst(%arg12 : memref<10240xi32, #tpu.memory_space<vmem>>)
      tpu.yield
    }) : () -> ()
    "tpu.region"() ({
      %run_scoped3A = tpu.sem_alloc : memref<!tpu.dma_semaphore, #tpu.memory_space<semaphore_mem>>
      tpu.enqueue_dma source(%arg5 : memref<2048xi32, #tpu.memory_space<hbm>>) target(%arg13 : memref<2048xi32, #tpu.memory_space<vmem>>) target_semaphore(%run_scoped3A : memref<!tpu.dma_semaphore, #tpu.memory_space<semaphore_mem>>)
      tpu.wait_dma2 semaphore(%run_scoped3A : memref<!tpu.dma_semaphore, #tpu.memory_space<semaphore_mem>>) src(%arg5 : memref<2048xi32, #tpu.memory_space<hbm>>) dst(%arg13 : memref<2048xi32, #tpu.memory_space<vmem>>)
      tpu.yield
    }) : () -> ()
    %scan3A = arith.constant 0 : i32
    %scan3A_1 = arith.constant 128 : i32
    %scan3A_2 = arith.addi %scan3A, %scan3A_1 : i32
    %scan3A_3 = arith.constant 1 : i32
    scf.for %scan3A_102 = %scan3A to %scan3A_2 step %scan3A_3  : i32 {
      %mul3A_103 = arith.constant 1 : i32
      %mul3A_104 = arith.muli %scan3A_102, %mul3A_103 : i32
      %add3A_105 = arith.constant 0 : i32
      %add3A_106 = arith.addi %add3A_105, %mul3A_104 : i32
      %mul3A_107 = arith.constant 16 : i32
      %mul3A_108 = arith.muli %add3A_106, %mul3A_107 : i32
      %get3A = arith.index_cast %mul3A_108 : i32 to index
      %get3A_109 = tpu.vector_load %arg13[%get3A] {strides = array<i32>} : memref<2048xi32, #tpu.memory_space<vmem>>, vector<16xi32>,
      %mul3A_110 = arith.constant 16 : i32
      %mul3A_111 = arith.muli %add3A_106, %mul3A_110 : i32
      %iota3A = tpu.iota {dimensions = array<i32: 0>} : vector<16xi32>
      %add3A_112 = vector.broadcast %mul3A_111 : i32 to vector<16xi32>
      %add3A_113 = arith.addi %add3A_112, %iota3A : vector<16xi32>
      tpu.vector_store_idx %arg12[%get3A_109], %add3A_113 : memref<10240xi32, #tpu.memory_space<vmem>>[vector<16xi32>], vector<16xi32>,
    }
    %scan3A_4 = arith.constant 128 : i32
    "tpu.region"() ({
      %run_scoped3A = tpu.sem_alloc : memref<!tpu.dma_semaphore, #tpu.memory_space<semaphore_mem>>
      tpu.enqueue_dma source(%arg9 : memref<128x128xf32, #tpu.memory_space<hbm>>) target(%arg19 : memref<128x128xf32, #tpu.memory_space<vmem>>) target_semaphore(%run_scoped3A : memref<!tpu.dma_semaphore, #tpu.memory_space<semaphore_mem>>)
      tpu.wait_dma2 semaphore(%run_scoped3A : memref<!tpu.dma_semaphore, #tpu.memory_space<semaphore_mem>>) src(%arg9 : memref<128x128xf32, #tpu.memory_space<hbm>>) dst(%arg19 : memref<128x128xf32, #tpu.memory_space<vmem>>)
      tpu.yield
    }) : () -> ()
    %mul3A_5 = arith.constant 136 : i32
    %mul3A_6 = arith.muli %arg1, %mul3A_5 : i32
    "tpu.region"() ({
      %run_scoped3A = tpu.sem_alloc : memref<!tpu.dma_semaphore, #tpu.memory_space<semaphore_mem>>
      %dma_start3A_102 = arith.constant 0 : i32
      %dma_start3A_103 = tpu.memref_slice %arg22[%mul3A_6, %dma_start3A_102] : memref<2176x128xf32, #tpu.memory_space<vmem_shared>> -> memref<128x128xf32, #tpu.memory_space<vmem_shared>>
      %dma_start3A_104 = arith.constant 0 : i32
      %dma_start3A_105 = tpu.memref_slice %arg22[%mul3A_6, %dma_start3A_104] : memref<2176x128xf32, #tpu.memory_space<vmem_shared>> -> memref<128x128xf32, #tpu.memory_space<vmem_shared>>
      tpu.enqueue_dma source(%arg19 : memref<128x128xf32, #tpu.memory_space<vmem>>) target(%dma_start3A_105 : memref<128x128xf32, #tpu.memory_space<vmem_shared>>) target_semaphore(%run_scoped3A : memref<!tpu.dma_semaphore, #tpu.memory_space<semaphore_mem>>)
      %dma_wait3A_106 = arith.constant 0 : i32
      %dma_wait3A_107 = tpu.memref_slice %arg22[%mul3A_6, %dma_wait3A_106] : memref<2176x128xf32, #tpu.memory_space<vmem_shared>> -> memref<128x128xf32, #tpu.memory_space<vmem_shared>>
      %dma_wait3A_108 = arith.constant 0 : i32
      %dma_wait3A_109 = tpu.memref_slice %arg22[%mul3A_6, %dma_wait3A_108] : memref<2176x128xf32, #tpu.memory_space<vmem_shared>> -> memref<128x128xf32, #tpu.memory_space<vmem_shared>>
      tpu.wait_dma2 semaphore(%run_scoped3A : memref<!tpu.dma_semaphore, #tpu.memory_space<semaphore_mem>>) src(%arg19 : memref<128x128xf32, #tpu.memory_space<vmem>>) dst(%dma_wait3A_109 : memref<128x128xf32, #tpu.memory_space<vmem_shared>>)
      tpu.yield
    }) : () -> ()
    %add3A_7 = arith.constant 128 : i32
    %add3A_8 = arith.addi %mul3A_6, %add3A_7 : i32
    "tpu.region"() ({
      %run_scoped3A = tpu.sem_alloc : memref<!tpu.dma_semaphore, #tpu.memory_space<semaphore_mem>>
      %dma_start3A_102 = arith.constant 0 : i32
      %dma_start3A_103 = arith.constant 0 : i32
      %dma_start3A_104 = tpu.memref_slice %arg19[%dma_start3A_102, %dma_start3A_103] : memref<128x128xf32, #tpu.memory_space<vmem>> -> memref<8x128xf32, #tpu.memory_space<vmem>>
      %dma_start3A_105 = arith.constant 0 : i32
      %dma_start3A_106 = tpu.memref_slice %arg22[%add3A_8, %dma_start3A_105] : memref<2176x128xf32, #tpu.memory_space<vmem_shared>> -> memref<8x128xf32, #tpu.memory_space<vmem_shared>>
      %dma_start3A_107 = arith.constant 0 : i32
      %dma_start3A_108 = tpu.memref_slice %arg22[%add3A_8, %dma_start3A_107] : memref<2176x128xf32, #tpu.memory_space<vmem_shared>> -> memref<8x128xf32, #tpu.memory_space<vmem_shared>>
      %dma_start3A_109 = arith.constant 0 : i32
      %dma_start3A_110 = arith.constant 0 : i32
      %dma_start3A_111 = tpu.memref_slice %arg19[%dma_start3A_109, %dma_start3A_110] : memref<128x128xf32, #tpu.memory_space<vmem>> -> memref<8x128xf32, #tpu.memory_space<vmem>>
      tpu.enqueue_dma source(%dma_start3A_111 : memref<8x128xf32, #tpu.memory_space<vmem>>) target(%dma_start3A_108 : memref<8x128xf32, #tpu.memory_space<vmem_shared>>) target_semaphore(%run_scoped3A : memref<!tpu.dma_semaphore, #tpu.memory_space<semaphore_mem>>)
      %dma_wait3A_112 = arith.constant 0 : i32
      %dma_wait3A_113 = arith.constant 0 : i32
      %dma_wait3A_114 = tpu.memref_slice %arg19[%dma_wait3A_112, %dma_wait3A_113] : memref<128x128xf32, #tpu.memory_space<vmem>> -> memref<8x128xf32, #tpu.memory_space<vmem>>
      %dma_wait3A_115 = arith.constant 0 : i32
      %dma_wait3A_116 = tpu.memref_slice %arg22[%add3A_8, %dma_wait3A_115] : memref<2176x128xf32, #tpu.memory_space<vmem_shared>> -> memref<8x128xf32, #tpu.memory_space<vmem_shared>>
      %dma_wait3A_117 = arith.constant 0 : i32
      %dma_wait3A_118 = tpu.memref_slice %arg22[%add3A_8, %dma_wait3A_117] : memref<2176x128xf32, #tpu.memory_space<vmem_shared>> -> memref<8x128xf32, #tpu.memory_space<vmem_shared>>
      %dma_wait3A_119 = arith.constant 0 : i32
      %dma_wait3A_120 = arith.constant 0 : i32
      %dma_wait3A_121 = tpu.memref_slice %arg19[%dma_wait3A_119, %dma_wait3A_120] : memref<128x128xf32, #tpu.memory_space<vmem>> -> memref<8x128xf32, #tpu.memory_space<vmem>>
      tpu.wait_dma2 semaphore(%run_scoped3A : memref<!tpu.dma_semaphore, #tpu.memory_space<semaphore_mem>>) src(%dma_wait3A_121 : memref<8x128xf32, #tpu.memory_space<vmem>>) dst(%dma_wait3A_118 : memref<8x128xf32, #tpu.memory_space<vmem_shared>>)
      tpu.yield
    }) : () -> ()
    "tpu.region"() ({
      %run_scoped3A = tpu.sem_alloc : memref<!tpu.dma_semaphore, #tpu.memory_space<semaphore_mem>>
      %dma_start3A_102 = arith.constant 0 : i32
      %dma_start3A_103 = tpu.memref_slice %arg23[%mul3A_6, %dma_start3A_102] : memref<2176x128xf32, #tpu.memory_space<vmem_shared>> -> memref<128x128xf32, #tpu.memory_space<vmem_shared>>
      %dma_start3A_104 = arith.constant 0 : i32
      %dma_start3A_105 = tpu.memref_slice %arg23[%mul3A_6, %dma_start3A_104] : memref<2176x128xf32, #tpu.memory_space<vmem_shared>> -> memref<128x128xf32, #tpu.memory_space<vmem_shared>>
      tpu.enqueue_dma source(%arg19 : memref<128x128xf32, #tpu.memory_space<vmem>>) target(%dma_start3A_105 : memref<128x128xf32, #tpu.memory_space<vmem_shared>>) target_semaphore(%run_scoped3A : memref<!tpu.dma_semaphore, #tpu.memory_space<semaphore_mem>>)
      %dma_wait3A_106 = arith.constant 0 : i32
      %dma_wait3A_107 = tpu.memref_slice %arg23[%mul3A_6, %dma_wait3A_106] : memref<2176x128xf32, #tpu.memory_space<vmem_shared>> -> memref<128x128xf32, #tpu.memory_space<vmem_shared>>
      %dma_wait3A_108 = arith.constant 0 : i32
      %dma_wait3A_109 = tpu.memref_slice %arg23[%mul3A_6, %dma_wait3A_108] : memref<2176x128xf32, #tpu.memory_space<vmem_shared>> -> memref<128x128xf32, #tpu.memory_space<vmem_shared>>
      tpu.wait_dma2 semaphore(%run_scoped3A : memref<!tpu.dma_semaphore, #tpu.memory_space<semaphore_mem>>) src(%arg19 : memref<128x128xf32, #tpu.memory_space<vmem>>) dst(%dma_wait3A_109 : memref<128x128xf32, #tpu.memory_space<vmem_shared>>)
      tpu.yield
    }) : () -> ()
    %add3A_9 = arith.constant 128 : i32
    %add3A_10 = arith.addi %mul3A_6, %add3A_9 : i32
    "tpu.region"() ({
      %run_scoped3A = tpu.sem_alloc : memref<!tpu.dma_semaphore, #tpu.memory_space<semaphore_mem>>
      %dma_start3A_102 = arith.constant 0 : i32
      %dma_start3A_103 = arith.constant 0 : i32
      %dma_start3A_104 = tpu.memref_slice %arg19[%dma_start3A_102, %dma_start3A_103] : memref<128x128xf32, #tpu.memory_space<vmem>> -> memref<8x128xf32, #tpu.memory_space<vmem>>
      %dma_start3A_105 = arith.constant 0 : i32
      %dma_start3A_106 = tpu.memref_slice %arg23[%add3A_10, %dma_start3A_105] : memref<2176x128xf32, #tpu.memory_space<vmem_shared>> -> memref<8x128xf32, #tpu.memory_space<vmem_shared>>
      %dma_start3A_107 = arith.constant 0 : i32
      %dma_start3A_108 = tpu.memref_slice %arg23[%add3A_10, %dma_start3A_107] : memref<2176x128xf32, #tpu.memory_space<vmem_shared>> -> memref<8x128xf32, #tpu.memory_space<vmem_shared>>
      %dma_start3A_109 = arith.constant 0 : i32
      %dma_start3A_110 = arith.constant 0 : i32
      %dma_start3A_111 = tpu.memref_slice %arg19[%dma_start3A_109, %dma_start3A_110] : memref<128x128xf32, #tpu.memory_space<vmem>> -> memref<8x128xf32, #tpu.memory_space<vmem>>
      tpu.enqueue_dma source(%dma_start3A_111 : memref<8x128xf32, #tpu.memory_space<vmem>>) target(%dma_start3A_108 : memref<8x128xf32, #tpu.memory_space<vmem_shared>>) target_semaphore(%run_scoped3A : memref<!tpu.dma_semaphore, #tpu.memory_space<semaphore_mem>>)
      %dma_wait3A_112 = arith.constant 0 : i32
      %dma_wait3A_113 = arith.constant 0 : i32
      %dma_wait3A_114 = tpu.memref_slice %arg19[%dma_wait3A_112, %dma_wait3A_113] : memref<128x128xf32, #tpu.memory_space<vmem>> -> memref<8x128xf32, #tpu.memory_space<vmem>>
      %dma_wait3A_115 = arith.constant 0 : i32
      %dma_wait3A_116 = tpu.memref_slice %arg23[%add3A_10, %dma_wait3A_115] : memref<2176x128xf32, #tpu.memory_space<vmem_shared>> -> memref<8x128xf32, #tpu.memory_space<vmem_shared>>
      %dma_wait3A_117 = arith.constant 0 : i32
      %dma_wait3A_118 = tpu.memref_slice %arg23[%add3A_10, %dma_wait3A_117] : memref<2176x128xf32, #tpu.memory_space<vmem_shared>> -> memref<8x128xf32, #tpu.memory_space<vmem_shared>>
      %dma_wait3A_119 = arith.constant 0 : i32
      %dma_wait3A_120 = arith.constant 0 : i32
      %dma_wait3A_121 = tpu.memref_slice %arg19[%dma_wait3A_119, %dma_wait3A_120] : memref<128x128xf32, #tpu.memory_space<vmem>> -> memref<8x128xf32, #tpu.memory_space<vmem>>
      tpu.wait_dma2 semaphore(%run_scoped3A : memref<!tpu.dma_semaphore, #tpu.memory_space<semaphore_mem>>) src(%dma_wait3A_121 : memref<8x128xf32, #tpu.memory_space<vmem>>) dst(%dma_wait3A_118 : memref<8x128xf32, #tpu.memory_space<vmem_shared>>)
      tpu.yield
    }) : () -> ()
    "tpu.region"() ({
      %run_scoped3A = tpu.sem_alloc : memref<!tpu.dma_semaphore, #tpu.memory_space<semaphore_mem>>
      tpu.enqueue_dma source(%arg8 : memref<128x128xf32, #tpu.memory_space<hbm>>) target(%arg20 : memref<128x128xf32, #tpu.memory_space<vmem>>) target_semaphore(%run_scoped3A : memref<!tpu.dma_semaphore, #tpu.memory_space<semaphore_mem>>)
      tpu.wait_dma2 semaphore(%run_scoped3A : memref<!tpu.dma_semaphore, #tpu.memory_space<semaphore_mem>>) src(%arg8 : memref<128x128xf32, #tpu.memory_space<hbm>>) dst(%arg20 : memref<128x128xf32, #tpu.memory_space<vmem>>)
      tpu.yield
    }) : () -> ()
    %mul3A_11 = arith.constant 10112 : i32
    %mul3A_12 = arith.muli %add3A, %mul3A_11 : i32
    "tpu.region"() ({
      %run_scoped3A = tpu.sem_alloc : memref<!tpu.dma_semaphore, #tpu.memory_space<semaphore_mem>>
      %dma_start3A_102 = tpu.memref_slice %arg3[%mul3A_12] : memref<323584xi32, #tpu.memory_space<hbm>> -> memref<10112xi32, #tpu.memory_space<hbm>>
      %dma_start3A_103 = tpu.memref_slice %arg3[%mul3A_12] : memref<323584xi32, #tpu.memory_space<hbm>> -> memref<10112xi32, #tpu.memory_space<hbm>>
      tpu.enqueue_dma source(%dma_start3A_103 : memref<10112xi32, #tpu.memory_space<hbm>>) target(%arg14 : memref<10112xi32, #tpu.memory_space<vmem>>) target_semaphore(%run_scoped3A : memref<!tpu.dma_semaphore, #tpu.memory_space<semaphore_mem>>)
      %dma_wait3A_104 = tpu.memref_slice %arg3[%mul3A_12] : memref<323584xi32, #tpu.memory_space<hbm>> -> memref<10112xi32, #tpu.memory_space<hbm>>
      %dma_wait3A_105 = tpu.memref_slice %arg3[%mul3A_12] : memref<323584xi32, #tpu.memory_space<hbm>> -> memref<10112xi32, #tpu.memory_space<hbm>>
      tpu.wait_dma2 semaphore(%run_scoped3A : memref<!tpu.dma_semaphore, #tpu.memory_space<semaphore_mem>>) src(%dma_wait3A_105 : memref<10112xi32, #tpu.memory_space<hbm>>) dst(%arg14 : memref<10112xi32, #tpu.memory_space<vmem>>)
      tpu.yield
    }) : () -> ()
    %mul3A_13 = arith.constant 10112 : i32
    %mul3A_14 = arith.muli %add3A, %mul3A_13 : i32
    "tpu.region"() ({
      %run_scoped3A = tpu.sem_alloc : memref<!tpu.dma_semaphore, #tpu.memory_space<semaphore_mem>>
      %dma_start3A_102 = tpu.memref_slice %arg4[%mul3A_14] : memref<323584xi32, #tpu.memory_space<hbm>> -> memref<10112xi32, #tpu.memory_space<hbm>>
      %dma_start3A_103 = tpu.memref_slice %arg4[%mul3A_14] : memref<323584xi32, #tpu.memory_space<hbm>> -> memref<10112xi32, #tpu.memory_space<hbm>>
      tpu.enqueue_dma source(%dma_start3A_103 : memref<10112xi32, #tpu.memory_space<hbm>>) target(%arg15 : memref<10112xi32, #tpu.memory_space<vmem>>) target_semaphore(%run_scoped3A : memref<!tpu.dma_semaphore, #tpu.memory_space<semaphore_mem>>)
      %dma_wait3A_104 = tpu.memref_slice %arg4[%mul3A_14] : memref<323584xi32, #tpu.memory_space<hbm>> -> memref<10112xi32, #tpu.memory_space<hbm>>
      %dma_wait3A_105 = tpu.memref_slice %arg4[%mul3A_14] : memref<323584xi32, #tpu.memory_space<hbm>> -> memref<10112xi32, #tpu.memory_space<hbm>>
      tpu.wait_dma2 semaphore(%run_scoped3A : memref<!tpu.dma_semaphore, #tpu.memory_space<semaphore_mem>>) src(%dma_wait3A_105 : memref<10112xi32, #tpu.memory_space<hbm>>) dst(%arg15 : memref<10112xi32, #tpu.memory_space<vmem>>)
      tpu.yield
    }) : () -> ()
    "tpu.region"() ({
      %run_scoped3A = tpu.sem_alloc : memref<!tpu.dma_semaphore, #tpu.memory_space<semaphore_mem>>
      tpu.enqueue_dma source(%arg7 : memref<10240xi32, #tpu.memory_space<hbm>>) target(%arg16 : memref<10240xi32, #tpu.memory_space<vmem>>) target_semaphore(%run_scoped3A : memref<!tpu.dma_semaphore, #tpu.memory_space<semaphore_mem>>)
      tpu.wait_dma2 semaphore(%run_scoped3A : memref<!tpu.dma_semaphore, #tpu.memory_space<semaphore_mem>>) src(%arg7 : memref<10240xi32, #tpu.memory_space<hbm>>) dst(%arg16 : memref<10240xi32, #tpu.memory_space<vmem>>)
      tpu.yield
    }) : () -> ()
    "tpu.region"() ({
      %run_scoped3A = tpu.sem_alloc : memref<!tpu.dma_semaphore, #tpu.memory_space<semaphore_mem>>
      %dma_start3A_102 = arith.constant 0 : i32
      %dma_start3A_103 = tpu.memref_slice %arg6[%dma_start3A_102] : memref<10240xi32, #tpu.memory_space<hbm>> -> memref<10240xi32, #tpu.memory_space<hbm>>
      %dma_start3A_104 = arith.constant 0 : i32
      %dma_start3A_105 = tpu.memref_slice %arg6[%dma_start3A_104] : memref<10240xi32, #tpu.memory_space<hbm>> -> memref<10240xi32, #tpu.memory_space<hbm>>
      tpu.enqueue_dma source(%dma_start3A_105 : memref<10240xi32, #tpu.memory_space<hbm>>) target(%arg17 : memref<10240xi32, #tpu.memory_space<vmem>>) target_semaphore(%run_scoped3A : memref<!tpu.dma_semaphore, #tpu.memory_space<semaphore_mem>>)
      %dma_wait3A_106 = arith.constant 0 : i32
      %dma_wait3A_107 = tpu.memref_slice %arg6[%dma_wait3A_106] : memref<10240xi32, #tpu.memory_space<hbm>> -> memref<10240xi32, #tpu.memory_space<hbm>>
      %dma_wait3A_108 = arith.constant 0 : i32
      %dma_wait3A_109 = tpu.memref_slice %arg6[%dma_wait3A_108] : memref<10240xi32, #tpu.memory_space<hbm>> -> memref<10240xi32, #tpu.memory_space<hbm>>
      tpu.wait_dma2 semaphore(%run_scoped3A : memref<!tpu.dma_semaphore, #tpu.memory_space<semaphore_mem>>) src(%dma_wait3A_109 : memref<10240xi32, #tpu.memory_space<hbm>>) dst(%arg17 : memref<10240xi32, #tpu.memory_space<vmem>>)
      tpu.yield
    }) : () -> ()
    %barrier3A = arith.constant 0 : index
    tpu.barrier barrier_id(%barrier3A)
    %scan3A_15 = arith.constant 0 : i32
    %scan3A_16 = arith.constant 0 : i32
    %scan3A_17 = arith.constant 632 : i32
    %scan3A_18 = arith.addi %scan3A_16, %scan3A_17 : i32
    %scan3A_19 = arith.constant 1 : i32
    %scan3A_20 = scf.for %scan3A_102 = %scan3A_16 to %scan3A_18 step %scan3A_19 iter_args(%scan3A_103 = %scan3A_15) -> (i32)  : i32 {
      %mul3A_104 = arith.constant 16 : i32
      %mul3A_105 = arith.muli %scan3A_102, %mul3A_104 : i32
      %get3A = arith.index_cast %mul3A_105 : i32 to index
      %get3A_106 = tpu.vector_load %arg15[%get3A] {strides = array<i32>} : memref<10112xi32, #tpu.memory_space<vmem>>, vector<16xi32>,
      %mul3A_107 = arith.constant 16 : i32
      %mul3A_108 = arith.muli %scan3A_102, %mul3A_107 : i32
      %get3A_109 = arith.index_cast %mul3A_108 : i32 to index
      %get3A_110 = tpu.vector_load %arg14[%get3A_109] {strides = array<i32>} : memref<10112xi32, #tpu.memory_space<vmem>>, vector<16xi32>,
      %gather3A = tpu.vector_load_idx %arg12[%get3A_106] : memref<10240xi32, #tpu.memory_space<vmem>>[vector<16xi32>], vector<16xi32>,
      %lt3A = arith.constant 2048 : i32
      %lt3A_111 = vector.broadcast %lt3A : i32 to vector<16xi32>
      %lt3A_112 = arith.cmpi slt, %gather3A, %lt3A_111 : vector<16xi32>
      %swap3A = arith.index_cast %scan3A_103 : i32 to index
      %swap3A_113 = tpu.vector_load %arg17[%swap3A] masked %lt3A_112 {strides = array<i32>} : memref<10240xi32, #tpu.memory_space<vmem>>, vector<16xi32>, vector<16xi1>
      tpu.vector_store %arg17[%swap3A], %gather3A masked %lt3A_112 {strides = array<i32>} : memref<10240xi32, #tpu.memory_space<vmem>>, vector<16xi32>, vector<16xi1>
      %swap3A_114 = arith.index_cast %scan3A_103 : i32 to index
      %swap3A_115 = tpu.vector_load %arg16[%swap3A_114] masked %lt3A_112 {strides = array<i32>} : memref<10240xi32, #tpu.memory_space<vmem>>, vector<16xi32>, vector<16xi1>
      tpu.vector_store %arg16[%swap3A_114], %get3A_110 masked %lt3A_112 {strides = array<i32>} : memref<10240xi32, #tpu.memory_space<vmem>>, vector<16xi32>, vector<16xi1>
      %all_reduce_population_count3A = tpu.all_reduce %lt3A_112 {dim = 0 : i64, kind = #tpu.reduction_kind<sum>} : vector<16xi1> -> vector<16xi32>
      %slice3A = vector.extract_strided_slice %all_reduce_population_count3A {offsets = [0], sizes = [1], strides = [1]} : vector<16xi32> to vector<1xi32>
      %squeeze3A = vector.extract %slice3A[0] : i32 from vector<1xi32>
      %add3A_116 = arith.addi %scan3A_103, %squeeze3A : i32
      scf.yield %add3A_116 : i32
    }
    %scan3A_21 = arith.constant 632 : i32
    %add3A_22 = arith.constant 128 : i32
    %add3A_23 = arith.addi %scan3A_20, %add3A_22 : i32
    %sub3A = arith.constant 1 : i32
    %sub3A_24 = arith.subi %add3A_23, %sub3A : i32
    %jit3A = arith.constant 128 : i32
    %div3A = arith.divsi %sub3A_24, %jit3A : i32
    %sign3A = arith.constant 0 : i32
    %sign3A_25 = arith.cmpi sgt, %sub3A_24, %sign3A : i32
    %sign3A_26 = arith.extui %sign3A_25 : i1 to i32
    %sign3A_27 = arith.constant 0 : i32
    %sign3A_28 = arith.cmpi slt, %sub3A_24, %sign3A_27 : i32
    %sign3A_29 = arith.extui %sign3A_28 : i1 to i32
    %sign3A_30 = arith.subi %sign3A_26, %sign3A_29 : i32
    %sign3A_31 = arith.constant 0 : i32
    %sign3A_32 = arith.cmpi sgt, %jit3A, %sign3A_31 : i32
    %sign3A_33 = arith.extui %sign3A_32 : i1 to i32
    %sign3A_34 = arith.constant 0 : i32
    %sign3A_35 = arith.cmpi slt, %jit3A, %sign3A_34 : i32
    %sign3A_36 = arith.extui %sign3A_35 : i1 to i32
    %sign3A_37 = arith.subi %sign3A_33, %sign3A_36 : i32
    %ne3A = arith.cmpi ne, %sign3A_30, %sign3A_37 : i32
    %rem3A = arith.remsi %sub3A_24, %jit3A : i32
    %ne3A_38 = arith.constant 0 : i32
    %ne3A_39 = arith.cmpi ne, %rem3A, %ne3A_38 : i32
    %and3A = arith.andi %ne3A, %ne3A_39 : i1
    %sub3A_40 = arith.constant 1 : i32
    %sub3A_41 = arith.subi %div3A, %sub3A_40 : i32
    %select_n3A = arith.select %and3A, %sub3A_41, %div3A : i32
    %mul3A_42 = arith.constant 8 : i32
    %mul3A_43 = arith.muli %select_n3A, %mul3A_42 : i32
    %sub3A_44 = arith.constant 0 : i32
    %sub3A_45 = arith.subi %mul3A_43, %sub3A_44 : i32
    %sub3A_46 = arith.constant 1 : i32
    %sub3A_47 = arith.constant 1 : i32
    %sub3A_48 = arith.subi %sub3A_46, %sub3A_47 : i32
    %add3A_49 = arith.addi %sub3A_45, %sub3A_48 : i32
    %div3A_50 = arith.constant 1 : i32
    %div3A_51 = arith.divsi %add3A_49, %div3A_50 : i32
    %while3A = arith.constant 1 : i32
    %while3A_52 = arith.constant 0 : i32
    %while3A_53 = arith.constant 0 : i32
    %while3A_54 = arith.subi %div3A_51, %while3A_53 : i32
    %while3A_55 = arith.addi %while3A_53, %while3A_54 : i32
    %while3A_56 = arith.constant 1 : i32
    %while3A_57 = arith.divsi %while3A_54, %while3A_56 : i32
    %while3A_58 = arith.muli %while3A_57, %while3A_56 : i32
    %while3A_59 = arith.addi %while3A_53, %while3A_58 : i32
    %while3A_60 = arith.constant 1 : i32
    scf.for %while3A_102 = %while3A_53 to %while3A_59 step %while3A_60  : i32 {
      %mul3A_103 = arith.muli %while3A_102, %while3A : i32
      %add3A_104 = arith.addi %while3A_52, %mul3A_103 : i32
      %jit3A_105 = arith.constant 8 : i32
      %div3A_106 = arith.divsi %add3A_104, %jit3A_105 : i32
      %sign3A_107 = arith.constant 0 : i32
      %sign3A_108 = arith.cmpi sgt, %add3A_104, %sign3A_107 : i32
      %sign3A_109 = arith.extui %sign3A_108 : i1 to i32
      %sign3A_110 = arith.constant 0 : i32
      %sign3A_111 = arith.cmpi slt, %add3A_104, %sign3A_110 : i32
      %sign3A_112 = arith.extui %sign3A_111 : i1 to i32
      %sign3A_113 = arith.subi %sign3A_109, %sign3A_112 : i32
      %sign3A_114 = arith.constant 0 : i32
      %sign3A_115 = arith.cmpi sgt, %jit3A_105, %sign3A_114 : i32
      %sign3A_116 = arith.extui %sign3A_115 : i1 to i32
      %sign3A_117 = arith.constant 0 : i32
      %sign3A_118 = arith.cmpi slt, %jit3A_105, %sign3A_117 : i32
      %sign3A_119 = arith.extui %sign3A_118 : i1 to i32
      %sign3A_120 = arith.subi %sign3A_116, %sign3A_119 : i32
      %ne3A_121 = arith.cmpi ne, %sign3A_113, %sign3A_120 : i32
      %rem3A_122 = arith.remsi %add3A_104, %jit3A_105 : i32
      %ne3A_123 = arith.constant 0 : i32
      %ne3A_124 = arith.cmpi ne, %rem3A_122, %ne3A_123 : i32
      %and3A_125 = arith.andi %ne3A_121, %ne3A_124 : i1
      %sub3A_126 = arith.constant 1 : i32
      %sub3A_127 = arith.subi %div3A_106, %sub3A_126 : i32
      %select_n3A_128 = arith.select %and3A_125, %sub3A_127, %div3A_106 : i32
      %jit3A_129 = arith.constant 8 : i32
      %eq3A = arith.constant 0 : i32
      %eq3A_130 = arith.cmpi eq, %jit3A_129, %eq3A : i32
      %jit3A_131 = arith.constant 1 : i32
      %select_n3A_132 = arith.select %eq3A_130, %jit3A_131, %jit3A_129 : i32
      %rem3A_133 = arith.remsi %add3A_104, %select_n3A_132 : i32
      %ne3A_134 = arith.constant 0 : i32
      %ne3A_135 = arith.cmpi ne, %rem3A_133, %ne3A_134 : i32
      %lt3A = arith.constant 0 : i32
      %lt3A_136 = arith.cmpi slt, %rem3A_133, %lt3A : i32
      %lt3A_137 = arith.constant 0 : i32
      %lt3A_138 = arith.cmpi slt, %select_n3A_132, %lt3A_137 : i32
      %ne3A_139 = arith.xori %lt3A_136, %lt3A_138 : i1
      %and3A_140 = arith.andi %ne3A_139, %ne3A_135 : i1
      %add3A_141 = arith.addi %rem3A_133, %select_n3A_132 : i32
      %select_n3A_142 = arith.select %and3A_140, %add3A_141, %rem3A_133 : i32
      %mul3A_143 = arith.constant 16 : i32
      %mul3A_144 = arith.muli %select_n3A_142, %mul3A_143 : i32
      %mul3A_145 = arith.constant 16 : i32
      %mul3A_146 = arith.muli %add3A_104, %mul3A_145 : i32
      %get3A = arith.index_cast %mul3A_146 : i32 to index
      %get3A_147 = tpu.vector_load %arg17[%get3A] {strides = array<i32>} : memref<10240xi32, #tpu.memory_space<vmem>>, vector<16xi32>,
      %swap3A = arith.index_cast %select_n3A_128 : i32 to index
      %swap3A_148 = arith.index_cast %mul3A_144 : i32 to index
      %swap3A_149 = tpu.vector_load %arg18[%swap3A, %swap3A_148] {strides = array<i32>} : memref<80x128xi32, #tpu.memory_space<vmem>>, vector<16xi32>,
      tpu.vector_store %arg18[%swap3A, %swap3A_148], %get3A_147 {strides = array<i32>} : memref<80x128xi32, #tpu.memory_space<vmem>>, vector<16xi32>,
    }
    %while3A_61 = arith.constant 1 : i32
    scf.for %while3A_102 = %while3A_59 to %while3A_55 step %while3A_61  : i32 {
      %mul3A_103 = arith.muli %while3A_102, %while3A : i32
      %add3A_104 = arith.addi %while3A_52, %mul3A_103 : i32
      %jit3A_105 = arith.constant 8 : i32
      %div3A_106 = arith.divsi %add3A_104, %jit3A_105 : i32
      %sign3A_107 = arith.constant 0 : i32
      %sign3A_108 = arith.cmpi sgt, %add3A_104, %sign3A_107 : i32
      %sign3A_109 = arith.extui %sign3A_108 : i1 to i32
      %sign3A_110 = arith.constant 0 : i32
      %sign3A_111 = arith.cmpi slt, %add3A_104, %sign3A_110 : i32
      %sign3A_112 = arith.extui %sign3A_111 : i1 to i32
      %sign3A_113 = arith.subi %sign3A_109, %sign3A_112 : i32
      %sign3A_114 = arith.constant 0 : i32
      %sign3A_115 = arith.cmpi sgt, %jit3A_105, %sign3A_114 : i32
      %sign3A_116 = arith.extui %sign3A_115 : i1 to i32
      %sign3A_117 = arith.constant 0 : i32
      %sign3A_118 = arith.cmpi slt, %jit3A_105, %sign3A_117 : i32
      %sign3A_119 = arith.extui %sign3A_118 : i1 to i32
      %sign3A_120 = arith.subi %sign3A_116, %sign3A_119 : i32
      %ne3A_121 = arith.cmpi ne, %sign3A_113, %sign3A_120 : i32
      %rem3A_122 = arith.remsi %add3A_104, %jit3A_105 : i32
      %ne3A_123 = arith.constant 0 : i32
      %ne3A_124 = arith.cmpi ne, %rem3A_122, %ne3A_123 : i32
      %and3A_125 = arith.andi %ne3A_121, %ne3A_124 : i1
      %sub3A_126 = arith.constant 1 : i32
      %sub3A_127 = arith.subi %div3A_106, %sub3A_126 : i32
      %select_n3A_128 = arith.select %and3A_125, %sub3A_127, %div3A_106 : i32
      %jit3A_129 = arith.constant 8 : i32
      %eq3A = arith.constant 0 : i32
      %eq3A_130 = arith.cmpi eq, %jit3A_129, %eq3A : i32
      %jit3A_131 = arith.constant 1 : i32
      %select_n3A_132 = arith.select %eq3A_130, %jit3A_131, %jit3A_129 : i32
      %rem3A_133 = arith.remsi %add3A_104, %select_n3A_132 : i32
      %ne3A_134 = arith.constant 0 : i32
      %ne3A_135 = arith.cmpi ne, %rem3A_133, %ne3A_134 : i32
      %lt3A = arith.constant 0 : i32
      %lt3A_136 = arith.cmpi slt, %rem3A_133, %lt3A : i32
      %lt3A_137 = arith.constant 0 : i32
      %lt3A_138 = arith.cmpi slt, %select_n3A_132, %lt3A_137 : i32
      %ne3A_139 = arith.xori %lt3A_136, %lt3A_138 : i1
      %and3A_140 = arith.andi %ne3A_139, %ne3A_135 : i1
      %add3A_141 = arith.addi %rem3A_133, %select_n3A_132 : i32
      %select_n3A_142 = arith.select %and3A_140, %add3A_141, %rem3A_133 : i32
      %mul3A_143 = arith.constant 16 : i32
      %mul3A_144 = arith.muli %select_n3A_142, %mul3A_143 : i32
      %mul3A_145 = arith.constant 16 : i32
      %mul3A_146 = arith.muli %add3A_104, %mul3A_145 : i32
      %get3A = arith.index_cast %mul3A_146 : i32 to index
      %get3A_147 = tpu.vector_load %arg17[%get3A] {strides = array<i32>} : memref<10240xi32, #tpu.memory_space<vmem>>, vector<16xi32>,
      %swap3A = arith.index_cast %select_n3A_128 : i32 to index
      %swap3A_148 = arith.index_cast %mul3A_144 : i32 to index
      %swap3A_149 = tpu.vector_load %arg18[%swap3A, %swap3A_148] {strides = array<i32>} : memref<80x128xi32, #tpu.memory_space<vmem>>, vector<16xi32>,
      tpu.vector_store %arg18[%swap3A, %swap3A_148], %get3A_147 {strides = array<i32>} : memref<80x128xi32, #tpu.memory_space<vmem>>, vector<16xi32>,
    }
    %sub3A_62 = arith.constant 0 : i32
    %sub3A_63 = arith.subi %select_n3A, %sub3A_62 : i32
    %sub3A_64 = arith.constant 1 : i32
    %sub3A_65 = arith.constant 1 : i32
    %sub3A_66 = arith.subi %sub3A_64, %sub3A_65 : i32
    %add3A_67 = arith.addi %sub3A_63, %sub3A_66 : i32
    %div3A_68 = arith.constant 1 : i32
    %div3A_69 = arith.divsi %add3A_67, %div3A_68 : i32
    %while3A_70 = arith.constant 1 : i32
    %while3A_71 = arith.constant 0 : i32
    %while3A_72 = arith.constant 0 : i32
    %while3A_73 = arith.subi %div3A_69, %while3A_72 : i32
    %while3A_74 = arith.addi %while3A_72, %while3A_73 : i32
    %while3A_75 = arith.constant 1 : i32
    %while3A_76 = arith.divsi %while3A_73, %while3A_75 : i32
    %while3A_77 = arith.muli %while3A_76, %while3A_75 : i32
    %while3A_78 = arith.addi %while3A_72, %while3A_77 : i32
    %while3A_79 = arith.constant 1 : i32
    scf.for %while3A_102 = %while3A_72 to %while3A_78 step %while3A_79  : i32 {
      %mul3A_103 = arith.muli %while3A_102, %while3A_70 : i32
      %add3A_104 = arith.addi %while3A_71, %mul3A_103 : i32
      %mul3A_105 = arith.constant 128 : i32
      %mul3A_106 = arith.muli %add3A_104, %mul3A_105 : i32
      %dma_start3A_107 = tpu.memref_slice %arg16[%mul3A_106] : memref<10240xi32, #tpu.memory_space<vmem>> -> memref<128xi32, #tpu.memory_space<vmem>>
      %dma_start3A_108 = arith.constant 0 : i32
      %dma_start3A_109 = arith.constant 0 : i32
      %dma_start3A_110 = tpu.memref_slice %arg2[%dma_start3A_108, %dma_start3A_109] : memref<10000x128xf32, #tpu.memory_space<hbm>> -> memref<10000x128xf32, #tpu.memory_space<hbm>>
      tpu.enqueue_indirect_dma source(%dma_start3A_110 : memref<10000x128xf32, #tpu.memory_space<hbm>>) target(%arg19 : memref<128x128xf32, #tpu.memory_space<vmem>>) offsets(%dma_start3A_107 : memref<128xi32, #tpu.memory_space<vmem>>) semaphore(%arg24 : memref<!tpu.dma_semaphore, #tpu.memory_space<semaphore_mem>>)
      %dma_wait3A_111 = tpu.memref_slice %arg16[%mul3A_106] : memref<10240xi32, #tpu.memory_space<vmem>> -> memref<128xi32, #tpu.memory_space<vmem>>
      %dma_wait3A_112 = arith.constant 0 : i32
      %dma_wait3A_113 = arith.constant 0 : i32
      %dma_wait3A_114 = tpu.memref_slice %arg2[%dma_wait3A_112, %dma_wait3A_113] : memref<10000x128xf32, #tpu.memory_space<hbm>> -> memref<10000x128xf32, #tpu.memory_space<hbm>>
      tpu.wait_indirect_dma semaphore(%arg24 : memref<!tpu.dma_semaphore, #tpu.memory_space<semaphore_mem>>) src(%dma_wait3A_114 : memref<10000x128xf32, #tpu.memory_space<hbm>>) dst(%arg19 : memref<128x128xf32, #tpu.memory_space<vmem>>)
      "tpu.region"() ({
        %run_scoped3A = tpu.sem_alloc : memref<!tpu.dma_semaphore, #tpu.memory_space<semaphore_mem>>
        %dma_start3A_115 = arith.constant 0 : i32
        %dma_start3A_116 = tpu.memref_slice %arg18[%add3A_104, %dma_start3A_115] : memref<80x128xi32, #tpu.memory_space<vmem>> -> memref<1x128xi32, #tpu.memory_space<vmem>>
        %dma_start3A_117 = tpu.memref_squeeze %dma_start3A_116 : memref<1x128xi32, #tpu.memory_space<vmem>> -> memref<128xi32, #tpu.memory_space<vmem>>
        %dma_start3A_118 = arith.constant 0 : i32
        %dma_start3A_119 = arith.constant 0 : i32
        %dma_start3A_120 = tpu.memref_slice %arg22[%dma_start3A_118, %dma_start3A_119] : memref<2176x128xf32, #tpu.memory_space<vmem_shared>> -> memref<2176x128xf32, #tpu.memory_space<vmem_shared>>
        tpu.enqueue_indirect_dma source(%arg19 : memref<128x128xf32, #tpu.memory_space<vmem>>) target(%dma_start3A_120 : memref<2176x128xf32, #tpu.memory_space<vmem_shared>>) offsets(%dma_start3A_117 : memref<128xi32, #tpu.memory_space<vmem>>) semaphore(%run_scoped3A : memref<!tpu.dma_semaphore, #tpu.memory_space<semaphore_mem>>) {add = true}
        %dma_wait3A_121 = arith.constant 0 : i32
        %dma_wait3A_122 = tpu.memref_slice %arg18[%add3A_104, %dma_wait3A_121] : memref<80x128xi32, #tpu.memory_space<vmem>> -> memref<1x128xi32, #tpu.memory_space<vmem>>
        %dma_wait3A_123 = tpu.memref_squeeze %dma_wait3A_122 : memref<1x128xi32, #tpu.memory_space<vmem>> -> memref<128xi32, #tpu.memory_space<vmem>>
        %dma_wait3A_124 = arith.constant 0 : i32
        %dma_wait3A_125 = arith.constant 0 : i32
        %dma_wait3A_126 = tpu.memref_slice %arg22[%dma_wait3A_124, %dma_wait3A_125] : memref<2176x128xf32, #tpu.memory_space<vmem_shared>> -> memref<2176x128xf32, #tpu.memory_space<vmem_shared>>
        tpu.wait_indirect_dma semaphore(%run_scoped3A : memref<!tpu.dma_semaphore, #tpu.memory_space<semaphore_mem>>) src(%arg19 : memref<128x128xf32, #tpu.memory_space<vmem>>) dst(%dma_wait3A_126 : memref<2176x128xf32, #tpu.memory_space<vmem_shared>>)
        tpu.yield
      }) : () -> ()
      "tpu.region"() ({
        %run_scoped3A = tpu.sem_alloc : memref<!tpu.dma_semaphore, #tpu.memory_space<semaphore_mem>>
        %dma_start3A_115 = arith.constant 0 : i32
        %dma_start3A_116 = tpu.memref_slice %arg18[%add3A_104, %dma_start3A_115] : memref<80x128xi32, #tpu.memory_space<vmem>> -> memref<1x128xi32, #tpu.memory_space<vmem>>
        %dma_start3A_117 = tpu.memref_squeeze %dma_start3A_116 : memref<1x128xi32, #tpu.memory_space<vmem>> -> memref<128xi32, #tpu.memory_space<vmem>>
        %dma_start3A_118 = arith.constant 0 : i32
        %dma_start3A_119 = arith.constant 0 : i32
        %dma_start3A_120 = tpu.memref_slice %arg23[%dma_start3A_118, %dma_start3A_119] : memref<2176x128xf32, #tpu.memory_space<vmem_shared>> -> memref<2176x128xf32, #tpu.memory_space<vmem_shared>>
        tpu.enqueue_indirect_dma source(%arg20 : memref<128x128xf32, #tpu.memory_space<vmem>>) target(%dma_start3A_120 : memref<2176x128xf32, #tpu.memory_space<vmem_shared>>) offsets(%dma_start3A_117 : memref<128xi32, #tpu.memory_space<vmem>>) semaphore(%run_scoped3A : memref<!tpu.dma_semaphore, #tpu.memory_space<semaphore_mem>>) {add = true}
        %dma_wait3A_121 = arith.constant 0 : i32
        %dma_wait3A_122 = tpu.memref_slice %arg18[%add3A_104, %dma_wait3A_121] : memref<80x128xi32, #tpu.memory_space<vmem>> -> memref<1x128xi32, #tpu.memory_space<vmem>>
        %dma_wait3A_123 = tpu.memref_squeeze %dma_wait3A_122 : memref<1x128xi32, #tpu.memory_space<vmem>> -> memref<128xi32, #tpu.memory_space<vmem>>
        %dma_wait3A_124 = arith.constant 0 : i32
        %dma_wait3A_125 = arith.constant 0 : i32
        %dma_wait3A_126 = tpu.memref_slice %arg23[%dma_wait3A_124, %dma_wait3A_125] : memref<2176x128xf32, #tpu.memory_space<vmem_shared>> -> memref<2176x128xf32, #tpu.memory_space<vmem_shared>>
        tpu.wait_indirect_dma semaphore(%run_scoped3A : memref<!tpu.dma_semaphore, #tpu.memory_space<semaphore_mem>>) src(%arg20 : memref<128x128xf32, #tpu.memory_space<vmem>>) dst(%dma_wait3A_126 : memref<2176x128xf32, #tpu.memory_space<vmem_shared>>)
        tpu.yield
      }) : () -> ()
    }
    %while3A_80 = arith.constant 1 : i32
    scf.for %while3A_102 = %while3A_78 to %while3A_74 step %while3A_80  : i32 {
      %mul3A_103 = arith.muli %while3A_102, %while3A_70 : i32
      %add3A_104 = arith.addi %while3A_71, %mul3A_103 : i32
      %mul3A_105 = arith.constant 128 : i32
      %mul3A_106 = arith.muli %add3A_104, %mul3A_105 : i32
      %dma_start3A_107 = tpu.memref_slice %arg16[%mul3A_106] : memref<10240xi32, #tpu.memory_space<vmem>> -> memref<128xi32, #tpu.memory_space<vmem>>
      %dma_start3A_108 = arith.constant 0 : i32
      %dma_start3A_109 = arith.constant 0 : i32
      %dma_start3A_110 = tpu.memref_slice %arg2[%dma_start3A_108, %dma_start3A_109] : memref<10000x128xf32, #tpu.memory_space<hbm>> -> memref<10000x128xf32, #tpu.memory_space<hbm>>
      tpu.enqueue_indirect_dma source(%dma_start3A_110 : memref<10000x128xf32, #tpu.memory_space<hbm>>) target(%arg19 : memref<128x128xf32, #tpu.memory_space<vmem>>) offsets(%dma_start3A_107 : memref<128xi32, #tpu.memory_space<vmem>>) semaphore(%arg24 : memref<!tpu.dma_semaphore, #tpu.memory_space<semaphore_mem>>)
      %dma_wait3A_111 = tpu.memref_slice %arg16[%mul3A_106] : memref<10240xi32, #tpu.memory_space<vmem>> -> memref<128xi32, #tpu.memory_space<vmem>>
      %dma_wait3A_112 = arith.constant 0 : i32
      %dma_wait3A_113 = arith.constant 0 : i32
      %dma_wait3A_114 = tpu.memref_slice %arg2[%dma_wait3A_112, %dma_wait3A_113] : memref<10000x128xf32, #tpu.memory_space<hbm>> -> memref<10000x128xf32, #tpu.memory_space<hbm>>
      tpu.wait_indirect_dma semaphore(%arg24 : memref<!tpu.dma_semaphore, #tpu.memory_space<semaphore_mem>>) src(%dma_wait3A_114 : memref<10000x128xf32, #tpu.memory_space<hbm>>) dst(%arg19 : memref<128x128xf32, #tpu.memory_space<vmem>>)
      "tpu.region"() ({
        %run_scoped3A = tpu.sem_alloc : memref<!tpu.dma_semaphore, #tpu.memory_space<semaphore_mem>>
        %dma_start3A_115 = arith.constant 0 : i32
        %dma_start3A_116 = tpu.memref_slice %arg18[%add3A_104, %dma_start3A_115] : memref<80x128xi32, #tpu.memory_space<vmem>> -> memref<1x128xi32, #tpu.memory_space<vmem>>
        %dma_start3A_117 = tpu.memref_squeeze %dma_start3A_116 : memref<1x128xi32, #tpu.memory_space<vmem>> -> memref<128xi32, #tpu.memory_space<vmem>>
        %dma_start3A_118 = arith.constant 0 : i32
        %dma_start3A_119 = arith.constant 0 : i32
        %dma_start3A_120 = tpu.memref_slice %arg22[%dma_start3A_118, %dma_start3A_119] : memref<2176x128xf32, #tpu.memory_space<vmem_shared>> -> memref<2176x128xf32, #tpu.memory_space<vmem_shared>>
        tpu.enqueue_indirect_dma source(%arg19 : memref<128x128xf32, #tpu.memory_space<vmem>>) target(%dma_start3A_120 : memref<2176x128xf32, #tpu.memory_space<vmem_shared>>) offsets(%dma_start3A_117 : memref<128xi32, #tpu.memory_space<vmem>>) semaphore(%run_scoped3A : memref<!tpu.dma_semaphore, #tpu.memory_space<semaphore_mem>>) {add = true}
        %dma_wait3A_121 = arith.constant 0 : i32
        %dma_wait3A_122 = tpu.memref_slice %arg18[%add3A_104, %dma_wait3A_121] : memref<80x128xi32, #tpu.memory_space<vmem>> -> memref<1x128xi32, #tpu.memory_space<vmem>>
        %dma_wait3A_123 = tpu.memref_squeeze %dma_wait3A_122 : memref<1x128xi32, #tpu.memory_space<vmem>> -> memref<128xi32, #tpu.memory_space<vmem>>
        %dma_wait3A_124 = arith.constant 0 : i32
        %dma_wait3A_125 = arith.constant 0 : i32
        %dma_wait3A_126 = tpu.memref_slice %arg22[%dma_wait3A_124, %dma_wait3A_125] : memref<2176x128xf32, #tpu.memory_space<vmem_shared>> -> memref<2176x128xf32, #tpu.memory_space<vmem_shared>>
        tpu.wait_indirect_dma semaphore(%run_scoped3A : memref<!tpu.dma_semaphore, #tpu.memory_space<semaphore_mem>>) src(%arg19 : memref<128x128xf32, #tpu.memory_space<vmem>>) dst(%dma_wait3A_126 : memref<2176x128xf32, #tpu.memory_space<vmem_shared>>)
        tpu.yield
      }) : () -> ()
      "tpu.region"() ({
        %run_scoped3A = tpu.sem_alloc : memref<!tpu.dma_semaphore, #tpu.memory_space<semaphore_mem>>
        %dma_start3A_115 = arith.constant 0 : i32
        %dma_start3A_116 = tpu.memref_slice %arg18[%add3A_104, %dma_start3A_115] : memref<80x128xi32, #tpu.memory_space<vmem>> -> memref<1x128xi32, #tpu.memory_space<vmem>>
        %dma_start3A_117 = tpu.memref_squeeze %dma_start3A_116 : memref<1x128xi32, #tpu.memory_space<vmem>> -> memref<128xi32, #tpu.memory_space<vmem>>
        %dma_start3A_118 = arith.constant 0 : i32
        %dma_start3A_119 = arith.constant 0 : i32
        %dma_start3A_120 = tpu.memref_slice %arg23[%dma_start3A_118, %dma_start3A_119] : memref<2176x128xf32, #tpu.memory_space<vmem_shared>> -> memref<2176x128xf32, #tpu.memory_space<vmem_shared>>
        tpu.enqueue_indirect_dma source(%arg20 : memref<128x128xf32, #tpu.memory_space<vmem>>) target(%dma_start3A_120 : memref<2176x128xf32, #tpu.memory_space<vmem_shared>>) offsets(%dma_start3A_117 : memref<128xi32, #tpu.memory_space<vmem>>) semaphore(%run_scoped3A : memref<!tpu.dma_semaphore, #tpu.memory_space<semaphore_mem>>) {add = true}
        %dma_wait3A_121 = arith.constant 0 : i32
        %dma_wait3A_122 = tpu.memref_slice %arg18[%add3A_104, %dma_wait3A_121] : memref<80x128xi32, #tpu.memory_space<vmem>> -> memref<1x128xi32, #tpu.memory_space<vmem>>
        %dma_wait3A_123 = tpu.memref_squeeze %dma_wait3A_122 : memref<1x128xi32, #tpu.memory_space<vmem>> -> memref<128xi32, #tpu.memory_space<vmem>>
        %dma_wait3A_124 = arith.constant 0 : i32
        %dma_wait3A_125 = arith.constant 0 : i32
        %dma_wait3A_126 = tpu.memref_slice %arg23[%dma_wait3A_124, %dma_wait3A_125] : memref<2176x128xf32, #tpu.memory_space<vmem_shared>> -> memref<2176x128xf32, #tpu.memory_space<vmem_shared>>
        tpu.wait_indirect_dma semaphore(%run_scoped3A : memref<!tpu.dma_semaphore, #tpu.memory_space<semaphore_mem>>) src(%arg20 : memref<128x128xf32, #tpu.memory_space<vmem>>) dst(%dma_wait3A_126 : memref<2176x128xf32, #tpu.memory_space<vmem_shared>>)
        tpu.yield
      }) : () -> ()
    }
    %barrier3A_81 = arith.constant 0 : index
    tpu.barrier barrier_id(%barrier3A_81)
    %scan3A_82 = arith.constant 0 : i32
    %scan3A_83 = arith.constant 8 : i32
    %scan3A_84 = arith.addi %scan3A_82, %scan3A_83 : i32
    %scan3A_85 = arith.constant 1 : i32
    scf.for %scan3A_102 = %scan3A_82 to %scan3A_84 step %scan3A_85  : i32 {
      %mul3A_103 = arith.constant 1 : i32
      %mul3A_104 = arith.muli %scan3A_102, %mul3A_103 : i32
      %add3A_105 = arith.constant 0 : i32
      %add3A_106 = arith.addi %add3A_105, %mul3A_104 : i32
      %mul3A_107 = arith.constant 128 : i32
      %mul3A_108 = arith.muli %arg1, %mul3A_107 : i32
      %mul3A_109 = arith.constant 16 : i32
      %mul3A_110 = arith.muli %add3A_106, %mul3A_109 : i32
      %add3A_111 = arith.addi %mul3A_108, %mul3A_110 : i32
      %get3A = arith.index_cast %add3A_111 : i32 to index
      %get3A_112 = tpu.vector_load %arg13[%get3A] {strides = array<i32>} : memref<2048xi32, #tpu.memory_space<vmem>>, vector<16xi32>,
      %gather3A = tpu.vector_load_idx %arg12[%get3A_112] : memref<10240xi32, #tpu.memory_space<vmem>>[vector<16xi32>], vector<16xi32>,
      %mul3A_113 = arith.constant 16 : i32
      %mul3A_114 = arith.muli %add3A_106, %mul3A_113 : i32
      %swap3A = arith.index_cast %mul3A_114 : i32 to index
      %swap3A_115 = tpu.vector_load %arg21[%swap3A] {strides = array<i32>} : memref<128xi32, #tpu.memory_space<vmem>>, vector<16xi32>,
      tpu.vector_store %arg21[%swap3A], %gather3A {strides = array<i32>} : memref<128xi32, #tpu.memory_space<vmem>>, vector<16xi32>,
    }
    %scan3A_86 = arith.constant 8 : i32
    %mul3A_87 = arith.constant 2048 : i32
    %mul3A_88 = arith.muli %arg0, %mul3A_87 : i32
    %mul3A_89 = arith.constant 128 : i32
    %mul3A_90 = arith.muli %arg1, %mul3A_89 : i32
    %add3A_91 = arith.addi %mul3A_88, %mul3A_90 : i32
    %dma_start3A = arith.constant 0 : i32
    %dma_start3A_92 = arith.constant 0 : i32
    %dma_start3A_93 = tpu.memref_slice %arg22[%dma_start3A, %dma_start3A_92] : memref<2176x128xf32, #tpu.memory_space<vmem_shared>> -> memref<2176x128xf32, #tpu.memory_space<vmem_shared>>
    tpu.enqueue_indirect_dma source(%dma_start3A_93 : memref<2176x128xf32, #tpu.memory_space<vmem_shared>>) target(%arg19 : memref<128x128xf32, #tpu.memory_space<vmem>>) offsets(%arg21 : memref<128xi32, #tpu.memory_space<vmem>>) semaphore(%arg24 : memref<!tpu.dma_semaphore, #tpu.memory_space<semaphore_mem>>)
    %dma_wait3A = arith.constant 0 : i32
    %dma_wait3A_94 = arith.constant 0 : i32
    %dma_wait3A_95 = tpu.memref_slice %arg22[%dma_wait3A, %dma_wait3A_94] : memref<2176x128xf32, #tpu.memory_space<vmem_shared>> -> memref<2176x128xf32, #tpu.memory_space<vmem_shared>>
    tpu.wait_indirect_dma semaphore(%arg24 : memref<!tpu.dma_semaphore, #tpu.memory_space<semaphore_mem>>) src(%dma_wait3A_95 : memref<2176x128xf32, #tpu.memory_space<vmem_shared>>) dst(%arg19 : memref<128x128xf32, #tpu.memory_space<vmem>>)
    "tpu.region"() ({
      %run_scoped3A = tpu.sem_alloc : memref<!tpu.dma_semaphore, #tpu.memory_space<semaphore_mem>>
      %dma_start3A_102 = arith.constant 0 : i32
      %dma_start3A_103 = tpu.memref_slice %arg10[%add3A_91, %dma_start3A_102] : memref<4096x128xf32, #tpu.memory_space<hbm>> -> memref<128x128xf32, #tpu.memory_space<hbm>>
      %dma_start3A_104 = arith.constant 0 : i32
      %dma_start3A_105 = tpu.memref_slice %arg10[%add3A_91, %dma_start3A_104] : memref<4096x128xf32, #tpu.memory_space<hbm>> -> memref<128x128xf32, #tpu.memory_space<hbm>>
      tpu.enqueue_dma source(%arg19 : memref<128x128xf32, #tpu.memory_space<vmem>>) target(%dma_start3A_105 : memref<128x128xf32, #tpu.memory_space<hbm>>) target_semaphore(%run_scoped3A : memref<!tpu.dma_semaphore, #tpu.memory_space<semaphore_mem>>)
      %dma_wait3A_106 = arith.constant 0 : i32
      %dma_wait3A_107 = tpu.memref_slice %arg10[%add3A_91, %dma_wait3A_106] : memref<4096x128xf32, #tpu.memory_space<hbm>> -> memref<128x128xf32, #tpu.memory_space<hbm>>
      %dma_wait3A_108 = arith.constant 0 : i32
      %dma_wait3A_109 = tpu.memref_slice %arg10[%add3A_91, %dma_wait3A_108] : memref<4096x128xf32, #tpu.memory_space<hbm>> -> memref<128x128xf32, #tpu.memory_space<hbm>>
      tpu.wait_dma2 semaphore(%run_scoped3A : memref<!tpu.dma_semaphore, #tpu.memory_space<semaphore_mem>>) src(%arg19 : memref<128x128xf32, #tpu.memory_space<vmem>>) dst(%dma_wait3A_109 : memref<128x128xf32, #tpu.memory_space<hbm>>)
      tpu.yield
    }) : () -> ()
    %dma_start3A_96 = arith.constant 0 : i32
    %dma_start3A_97 = arith.constant 0 : i32
    %dma_start3A_98 = tpu.memref_slice %arg23[%dma_start3A_96, %dma_start3A_97] : memref<2176x128xf32, #tpu.memory_space<vmem_shared>> -> memref<2176x128xf32, #tpu.memory_space<vmem_shared>>
    tpu.enqueue_indirect_dma source(%dma_start3A_98 : memref<2176x128xf32, #tpu.memory_space<vmem_shared>>) target(%arg19 : memref<128x128xf32, #tpu.memory_space<vmem>>) offsets(%arg21 : memref<128xi32, #tpu.memory_space<vmem>>) semaphore(%arg24 : memref<!tpu.dma_semaphore, #tpu.memory_space<semaphore_mem>>)
    %dma_wait3A_99 = arith.constant 0 : i32
    %dma_wait3A_100 = arith.constant 0 : i32
    %dma_wait3A_101 = tpu.memref_slice %arg23[%dma_wait3A_99, %dma_wait3A_100] : memref<2176x128xf32, #tpu.memory_space<vmem_shared>> -> memref<2176x128xf32, #tpu.memory_space<vmem_shared>>
    tpu.wait_indirect_dma semaphore(%arg24 : memref<!tpu.dma_semaphore, #tpu.memory_space<semaphore_mem>>) src(%dma_wait3A_101 : memref<2176x128xf32, #tpu.memory_space<vmem_shared>>) dst(%arg19 : memref<128x128xf32, #tpu.memory_space<vmem>>)
    "tpu.region"() ({
      %run_scoped3A = tpu.sem_alloc : memref<!tpu.dma_semaphore, #tpu.memory_space<semaphore_mem>>
      %dma_start3A_102 = arith.constant 0 : i32
      %dma_start3A_103 = tpu.memref_slice %arg11[%add3A_91, %dma_start3A_102] : memref<4096x128xf32, #tpu.memory_space<hbm>> -> memref<128x128xf32, #tpu.memory_space<hbm>>
      %dma_start3A_104 = arith.constant 0 : i32
      %dma_start3A_105 = tpu.memref_slice %arg11[%add3A_91, %dma_start3A_104] : memref<4096x128xf32, #tpu.memory_space<hbm>> -> memref<128x128xf32, #tpu.memory_space<hbm>>
      tpu.enqueue_dma source(%arg19 : memref<128x128xf32, #tpu.memory_space<vmem>>) target(%dma_start3A_105 : memref<128x128xf32, #tpu.memory_space<hbm>>) target_semaphore(%run_scoped3A : memref<!tpu.dma_semaphore, #tpu.memory_space<semaphore_mem>>)
      %dma_wait3A_106 = arith.constant 0 : i32
      %dma_wait3A_107 = tpu.memref_slice %arg11[%add3A_91, %dma_wait3A_106] : memref<4096x128xf32, #tpu.memory_space<hbm>> -> memref<128x128xf32, #tpu.memory_space<hbm>>
      %dma_wait3A_108 = arith.constant 0 : i32
      %dma_wait3A_109 = tpu.memref_slice %arg11[%add3A_91, %dma_wait3A_108] : memref<4096x128xf32, #tpu.memory_space<hbm>> -> memref<128x128xf32, #tpu.memory_space<hbm>>
      tpu.wait_dma2 semaphore(%run_scoped3A : memref<!tpu.dma_semaphore, #tpu.memory_space<semaphore_mem>>) src(%arg19 : memref<128x128xf32, #tpu.memory_space<vmem>>) dst(%dma_wait3A_109 : memref<128x128xf32, #tpu.memory_space<hbm>>)
      tpu.yield
    }) : () -> ()
    return
  }
}

module attributes {stable_mosaic.version = 14 : i64} {
  func.func @_dense_body(%arg0: memref<4096x128xf32, #tpu.memory_space<vmem>>, %arg1: memref<4096x128xf32, #tpu.memory_space<vmem>>, %arg2: memref<128x128xf32, #tpu.memory_space<vmem>>, %arg3: memref<1x128xf32, #tpu.memory_space<vmem>>, %arg4: memref<2048x1xi32, #tpu.memory_space<vmem>>, %arg5: memref<2048x10xf32, #tpu.memory_space<vmem>>) attributes {dimension_semantics = [], scalar_prefetch = 0 : i64, scratch_operands = 0 : i64, tpu.core_type = #tpu.core_type<tc>} {
    %get3A = arith.constant 0 : index
    %get3A_0 = arith.constant 0 : index
    %get3A_1 = vector.load %arg0[%get3A, %get3A_0] : memref<4096x128xf32, #tpu.memory_space<vmem>>, vector<2048x128xf32>
    %get3A_2 = arith.constant 2048 : index
    %get3A_3 = arith.constant 0 : index
    %get3A_4 = vector.load %arg0[%get3A_2, %get3A_3] : memref<4096x128xf32, #tpu.memory_space<vmem>>, vector<2048x128xf32>
    %add3A = arith.addf %get3A_1, %get3A_4 : vector<2048x128xf32>
    %get3A_5 = arith.constant 0 : index
    %get3A_6 = arith.constant 0 : index
    %get3A_7 = vector.load %arg1[%get3A_5, %get3A_6] : memref<4096x128xf32, #tpu.memory_space<vmem>>, vector<2048x128xf32>
    %get3A_8 = arith.constant 2048 : index
    %get3A_9 = arith.constant 0 : index
    %get3A_10 = vector.load %arg1[%get3A_8, %get3A_9] : memref<4096x128xf32, #tpu.memory_space<vmem>>, vector<2048x128xf32>
    %add3A_11 = arith.addf %get3A_7, %get3A_10 : vector<2048x128xf32>
    %slice3A = vector.extract_strided_slice %add3A_11 {offsets = [0, 0], sizes = [2048, 1], strides = [1, 1]} : vector<2048x128xf32> to vector<2048x1xf32>
    %max3A = arith.constant 1.000000e+00 : f32
    %max3A_12 = vector.broadcast %max3A : f32 to vector<2048x1xf32>
    %max3A_13 = arith.maximumf %slice3A, %max3A_12 : vector<2048x1xf32>
    %div3A = vector.broadcast %max3A_13 : vector<2048x1xf32> to vector<2048x128xf32>
    %div3A_14 = arith.divf %add3A, %div3A : vector<2048x128xf32>
    %get3A_15 = arith.constant 0 : index
    %get3A_16 = arith.constant 0 : index
    %get3A_17 = vector.load %arg2[%get3A_15, %get3A_16] : memref<128x128xf32, #tpu.memory_space<vmem>>, vector<128x128xf32>
    %dot_general3A = arith.constant dense<0.000000e+00> : vector<2048x128xf32>
    %dot_general3A_18 = tpu.matmul %div3A_14, %get3A_17, %dot_general3A {dimension_numbers = #tpu.dot_dimension_numbers<[1], [0], [0], [1], [0, 0, 1, 1], [], []>, transpose_lhs_hint = false} : vector<2048x128xf32>, vector<128x128xf32>, vector<2048x128xf32> -> vector<2048x128xf32>
    %max3A_19 = arith.constant 0.000000e+00 : f32
    %max3A_20 = vector.broadcast %max3A_19 : f32 to vector<2048x128xf32>
    %max3A_21 = arith.maximumf %dot_general3A_18, %max3A_20 : vector<2048x128xf32>
    %get3A_22 = arith.constant 0 : index
    %get3A_23 = arith.constant 0 : index
    %get3A_24 = vector.load %arg3[%get3A_22, %get3A_23] : memref<1x128xf32, #tpu.memory_space<vmem>>, vector<1x128xf32>
    %mul3A = vector.broadcast %get3A_24 : vector<1x128xf32> to vector<2048x128xf32>
    %mul3A_25 = arith.mulf %max3A_21, %mul3A : vector<2048x128xf32>
    %get3A_26 = arith.constant 0 : index
    %get3A_27 = arith.constant 0 : index
    %get3A_28 = vector.load %arg4[%get3A_26, %get3A_27] : memref<2048x1xi32, #tpu.memory_space<vmem>>, vector<2048x1xi32>
    %iota3A = tpu.iota {dimensions = array<i32: 1>} : vector<2048x128xi32>
    %eq3A = vector.broadcast %get3A_28 : vector<2048x1xi32> to vector<2048x128xi32>
    %eq3A_29 = arith.cmpi eq, %eq3A, %iota3A : vector<2048x128xi32>
    %convert_element_type3A = arith.extui %eq3A_29 : vector<2048x128xi1> to vector<2048x128xi32>
    %convert_element_type3A_30 = arith.sitofp %convert_element_type3A : vector<2048x128xi32> to vector<2048x128xf32>
    %dot_general3A_31 = arith.constant dense<0.000000e+00> : vector<128x128xf32>
    %dot_general3A_32 = tpu.matmul %convert_element_type3A_30, %mul3A_25, %dot_general3A_31 {dimension_numbers = #tpu.dot_dimension_numbers<[0], [0], [1], [1], [0, 1, 1, 1], [], []>, transpose_lhs_hint = false} : vector<2048x128xf32>, vector<2048x128xf32>, vector<128x128xf32> -> vector<128x128xf32>
    %broadcast_in_dim3A = arith.constant 1.000000e+00 : f32
    %broadcast_in_dim3A_33 = vector.broadcast %broadcast_in_dim3A : f32 to vector<2048x1xf32>
    %dot_general3A_34 = arith.constant dense<0.000000e+00> : vector<128x1xf32>
    %dot_general3A_35 = tpu.matmul %convert_element_type3A_30, %broadcast_in_dim3A_33, %dot_general3A_34 {dimension_numbers = #tpu.dot_dimension_numbers<[0], [0], [1], [1], [0, 1, 1, 1], [], []>, transpose_lhs_hint = false} : vector<2048x128xf32>, vector<2048x1xf32>, vector<128x1xf32> -> vector<128x1xf32>
    %max3A_36 = arith.constant 1.000000e+00 : f32
    %max3A_37 = vector.broadcast %max3A_36 : f32 to vector<128x1xf32>
    %max3A_38 = arith.maximumf %dot_general3A_35, %max3A_37 : vector<128x1xf32>
    %div3A_39 = vector.broadcast %max3A_38 : vector<128x1xf32> to vector<128x128xf32>
    %div3A_40 = arith.divf %dot_general3A_32, %div3A_39 : vector<128x128xf32>
    %mul3A_41 = arith.mulf %mul3A_25, %mul3A_25 : vector<2048x128xf32>
    %reduce_sum3A = arith.constant dense<0.000000e+00> : vector<2048xf32>
    %reduce_sum3A_42 = vector.multi_reduction <add>, %mul3A_41, %reduce_sum3A [1] : vector<2048x128xf32> to vector<2048xf32>
    %broadcast_in_dim3A_43 = vector.shape_cast %reduce_sum3A_42 : vector<2048xf32> to vector<2048x1xf32>
    %sqrt3A = math.sqrt %broadcast_in_dim3A_43 : vector<2048x1xf32>
    %max3A_44 = arith.constant 9.99999996E-13 : f32
    %max3A_45 = vector.broadcast %max3A_44 : f32 to vector<2048x1xf32>
    %max3A_46 = arith.maximumf %sqrt3A, %max3A_45 : vector<2048x1xf32>
    %div3A_47 = vector.broadcast %max3A_46 : vector<2048x1xf32> to vector<2048x128xf32>
    %div3A_48 = arith.divf %mul3A_25, %div3A_47 : vector<2048x128xf32>
    %mul3A_49 = arith.mulf %div3A_40, %div3A_40 : vector<128x128xf32>
    %reduce_sum3A_50 = arith.constant dense<0.000000e+00> : vector<128xf32>
    %reduce_sum3A_51 = vector.multi_reduction <add>, %mul3A_49, %reduce_sum3A_50 [1] : vector<128x128xf32> to vector<128xf32>
    %broadcast_in_dim3A_52 = vector.shape_cast %reduce_sum3A_51 : vector<128xf32> to vector<128x1xf32>
    %sqrt3A_53 = math.sqrt %broadcast_in_dim3A_52 : vector<128x1xf32>
    %max3A_54 = arith.constant 9.99999996E-13 : f32
    %max3A_55 = vector.broadcast %max3A_54 : f32 to vector<128x1xf32>
    %max3A_56 = arith.maximumf %sqrt3A_53, %max3A_55 : vector<128x1xf32>
    %div3A_57 = vector.broadcast %max3A_56 : vector<128x1xf32> to vector<128x128xf32>
    %div3A_58 = arith.divf %div3A_40, %div3A_57 : vector<128x128xf32>
    %dot_general3A_59 = arith.constant dense<0.000000e+00> : vector<2048x128xf32>
    %dot_general3A_60 = tpu.matmul %div3A_48, %div3A_58, %dot_general3A_59 {dimension_numbers = #tpu.dot_dimension_numbers<[1], [1], [0], [0], [0, 0, 1, 0], [], []>, transpose_lhs_hint = false} : vector<2048x128xf32>, vector<128x128xf32>, vector<2048x128xf32> -> vector<2048x128xf32>
    %slice3A_61 = vector.extract_strided_slice %dot_general3A_60 {offsets = [0, 0], sizes = [2048, 10], strides = [1, 1]} : vector<2048x128xf32> to vector<2048x10xf32>
    %swap3A = arith.constant 0 : index
    %swap3A_62 = arith.constant 0 : index
    %swap3A_63 = vector.load %arg5[%swap3A, %swap3A_62] : memref<2048x10xf32, #tpu.memory_space<vmem>>, vector<2048x10xf32>
    tpu.vector_store %arg5[%swap3A, %swap3A_62], %slice3A_61 {strides = array<i32>} : memref<2048x10xf32, #tpu.memory_space<vmem>>, vector<2048x10xf32>,
    return
  }
}

</mosaic_0001>

<sc_bundles>
// kernel: kernel.4.cloned.1.call-start
scs
__scs_entry_jumppad:
0x0: {  	(pc) =	sbr.rel $0x88, $3  }
0x1: {  	(tag) =	ssettag $0x0;
	lr =	simm.s32 $0x1  }
0x2: {  	[smem:$0x3F9B] =	sst lr;
	_ =	strace $0xD0000000  }
0x3: {  	_ = 	snop  }
0x4: {  	_ = 	snop  }
0x5: {  	_ = 	snop  }
0x6: {  	_ = 	snop  }
0x7: {  	_ = 	snop  }
__scs_overlays_trampoline_lowered:
0x8: {  	[smem:$0x3FAA] =	sst s0  }
0x9: {  	[smem:$0x3FAB] =	sst s1  }
0xa: {  	[smem:$0x3FAC] =	sst s2  }
0xb: {  	[smem:$0x3FAD] =	sst s3  }
0xc: {  	[smem:$0x3FAE] =	sst s4  }
0xd: {  	[smem:$0x3FAF] =	sst s5  }
0xe: {  	[smem:$0x3FB0] =	sst s6  }
0xf: {  	[smem:$0x3FB1] =	sst s7  }
0x10: {  	[smem:$0x3FB2] =	sst s8  }
0x11: {  	[smem:$0x3FB3] =	sst s9;
	s0 =	simm.s32 @!p0 $0x0  }
0x12: {  	s1 =	sld [smem:$0x3F99];
	s0 =	simm.s32 @p0 $0x1  }
0x13: {  	[smem:$0x3FB4] =	sst s0;
	s0 =	simm.s32 @!p1 $0x0  }
0x14: {  	s2 =	sld [smem:$0x3F98];
	s0 =	simm.s32 @p1 $0x1  }
0x15: {  	[smem:$0x3FB5] =	sst s0;
	s0 =	simm.s32 @!p2 $0x0  }
0x16: {  	s3 =	sld [smem:$0x3FDB];
	s0 =	simm.s32 @p2 $0x1  }
0x17: {  	s4 =	simm.s32 $0x1BF5;
	[smem:$0x3FB7] =	sst s0  }
0x18: {  	s0 =	sld [smem:$0x3F9A];
	_ =	swait.ge [sflag:s4], $0x0  }
0x19: {  	s7 =	sld [smem:$0x3F9B]  }
0x1a: {  	s8 =	sadd.s32 $0xFFFFE003, lr  }
0x1b: {  	s9 =	sadd.s32 $0xFFFFFEF7, lr;
	s5 =	simm.s32 $0xFFFFFFFF;
	p2 =	slt.u32 s8, $0xFFFFF086  }
0x1c: {  	p1 =	slt.u32 s9, $0xF7A;
	s5 =	simm.s32 @!p2 $0x0  }
0x1d: {  	s5 =	simm.s32 @p1 $0x1;
	p0 =	seq.s32 s7, s2  }
0x1e: {  	s7 =	smul.u32 @!p0 $0xF7A, s2;
	p2 =	seq.s32 @!p0 s5, $0x0  }
0x1f: {  	s9 =	smul.u32 $0xF7A, s1;
	s8 =	simm.s32 @!p0 $0x1BF5;
	p2 =	por !p2, p0  }
0x20: {  	[sflag:s8] =	ssyncset.s32 @!p0 $0xFFFFF086;
	s6 =	sadd.s32 @!p0 s3, s7;
	s7 =	simm.s32 @!p0 $0x108  }
0x21: {  	s3 =	sadd.s32 s3, s9;
	s6 =	sadd.s32 @!p0 $0x88, s6;
	s7 =	simm.s32 @p2 $0x1082  }
0x22: {  	[simem:s7], [sflag:s8] =	dma.local @!p0 [hbm:s6], $0xF7A  }
0x23: {  	s9 =	sor.u32 $0xD0000000, s2;
	s6 =	simm.s32 $0x108;
	_ =	swait.ge @!p0 [sflag:s8], $0x0  }
0x24: {  	s3 =	sadd.s32 $0x88, s3;
	s6 =	simm.s32 @!p1 $0x1082;
	[sflag:s4] =	ssyncset.s32 $0xFFFFF086  }
0x25: {  	[simem:s6], [sflag:s4] =	dma.local [hbm:s3], $0xF7A  }
0x26: {  	[smem:$0x3F9B] =	sst s1;
	(tag) =	ssettag s2;
	_ =	strace s9  }
0x27: {  	s1 =	sld [smem:$0x3FAB]  }
0x28: {  	s2 =	sld [smem:$0x3FAC]  }
0x29: {  	s4 =	sld [smem:$0x3FAE]  }
0x2a: {  	p0 =	seq.s32 s5, $0x0;
	s5 =	sld [smem:$0x3FAF]  }
0x2b: {  	s6 =	sld [smem:$0x3FB0]  }
0x2c: {  	s7 =	sld [smem:$0x3FB1]  }
0x2d: {  	s3 =	simm.s32 $0x108;
	s8 =	sld [smem:$0x3FB2]  }
0x2e: {  	s3 =	simm.s32 @!p0 $0x1082;
	s9 =	sld [smem:$0x3FB3]  }
0x2f: {  	lr =	sadd.s32 s0, s3;
	s0 =	sld [smem:$0x3FAA]  }
0x30: {  	s3 =	sld [smem:$0x3FAD]  }
0x31: {  	[smem:$0x3FB6] =	sst s10  }
0x32: {  	s10 =	sld [smem:$0x3FB4];
	_ =	sdelay $0x3  }
0x33: {  	p0 =	seq.s32 s10, $0x1;
	s10 =	sld [smem:$0x3FB6];
	_ =	sdelay $0x3  }
0x34: {  	[smem:$0x3FB6] =	sst s10  }
0x35: {  	s10 =	sld [smem:$0x3FB5];
	_ =	sdelay $0x3  }
0x36: {  	p1 =	seq.s32 s10, $0x1;
	s10 =	sld [smem:$0x3FB6];
	_ =	sdelay $0x3  }
0x37: {  	[smem:$0x3FB6] =	sst s10  }
0x38: {  	s10 =	sld [smem:$0x3FB7]  }
0x39: {  	_ = 	snop;
	(pc) =	sbr.ind lr, $3  }
0x3a: {  	_ = 	snop  }
0x3b: {  	_ = 	snop  }
0x3c: {  	p2 =	seq.s32 s10, $0x1;
	s10 =	sld [smem:$0x3FB6]  }
0x3d: {  	_ =	shalt  }
0x3e: {  	_ =	shalt  }
0x3f: {  	_ =	shalt  }
0x40: {  	_ =	shalt  }
0x41: {  	_ =	shalt  }
0x42: {  	_ =	shalt  }
0x43: {  	_ =	shalt  }
0x44: {  	_ =	shalt  }
0x45: {  	_ =	shalt  }
0x46: {  	_ =	shalt  }
0x47: {  	_ =	shalt  }
0x48: {  	_ =	shalt  }
0x49: {  	_ =	shalt  }
0x4a: {  	_ =	shalt  }
0x4b: {  	_ =	shalt  }
0x4c: {  	_ =	shalt  }
0x4d: {  	_ =	shalt  }
0x4e: {  	_ =	shalt  }
0x4f: {  	_ =	shalt  }
0x50: {  	_ =	shalt  }
0x51: {  	_ =	shalt  }
0x52: {  	_ =	shalt  }
0x53: {  	_ =	shalt  }
0x54: {  	_ =	shalt  }
0x55: {  	_ =	shalt  }
0x56: {  	_ =	shalt  }
0x57: {  	_ =	shalt  }
0x58: {  	_ =	shalt  }
0x59: {  	_ =	shalt  }
0x5a: {  	_ =	shalt  }
0x5b: {  	_ =	shalt  }
0x5c: {  	_ =	shalt  }
0x5d: {  	_ =	shalt  }
0x5e: {  	_ =	shalt  }
0x5f: {  	_ =	shalt  }
0x60: {  	_ =	shalt  }
0x61: {  	_ =	shalt  }
0x62: {  	_ =	shalt  }
0x63: {  	_ =	shalt  }
0x64: {  	_ =	shalt  }
0x65: {  	_ =	shalt  }
0x66: {  	_ =	shalt  }
0x67: {  	_ =	shalt  }
0x68: {  	_ =	shalt  }
0x69: {  	_ =	shalt  }
0x6a: {  	_ =	shalt  }
0x6b: {  	_ =	shalt  }
0x6c: {  	_ =	shalt  }
0x6d: {  	_ =	shalt  }
0x6e: {  	_ =	shalt  }
0x6f: {  	_ =	shalt  }
0x70: {  	_ =	shalt  }
0x71: {  	_ =	shalt  }
0x72: {  	_ =	shalt  }
0x73: {  	_ =	shalt  }
0x74: {  	_ =	shalt  }
0x75: {  	_ =	shalt  }
0x76: {  	_ =	shalt  }
0x77: {  	_ =	shalt  }
0x78: {  	_ =	shalt  }
0x79: {  	_ =	shalt  }
0x7a: {  	_ =	shalt  }
0x7b: {  	_ =	shalt  }
0x7c: {  	_ =	shalt  }
0x7d: {  	_ =	shalt  }
0x7e: {  	_ =	shalt  }
0x7f: {  	_ =	shalt  }
0x80: {  	_ =	shalt  }
0x81: {  	_ =	shalt  }
0x82: {  	_ =	shalt  }
0x83: {  	_ =	shalt  }
0x84: {  	_ =	shalt  }
0x85: {  	_ =	shalt  }
0x86: {  	_ =	shalt  }
0x87: {  	_ =	shalt  }
.Lfunc_end0:
.L_simem_size_0:
called_computation_lowered:
.L_overlay_start_0:
0x88: {  	s2 =	sld [smem:$0x3FD9]  }
0x89: {  	s3 =	sld [smem:$0x3FFE];
	_ =	sdelay $0x1  }
0x8a: {  	s1 =	srdreg.scid  }
0x8b: {  	s0 =	sand.u32 $0x1, s1  }
0x8c: {  	s17 =	sshll.u32 s0, $0xA;
	s2 =	sadd.s32 s3, s2  }
0x8d: {  	s2 =	sadd.s32 s2, s17  }
0x8e: {  	[smem:$0x3FC2] =	sst s2  }
0x8f: {  	_ = 	snop  }
0x90: {  	s2 =	sld [smem:$0x3FC9]  }
0x91: {  	s18 =	sld [smem:$0x3FC5]  }
0x92: {  	s4 =	sld [smem:$0x3FD0];
	(tm) =	ssettm $0x1  }
0x93: {  	s5 =	sld [smem:$0x3FFB];
	_ =	sdelay $0x3  }
0x94: {  	_ =	strace s5  }
0x95: {  	s5 =	sld [smem:$0x3FFC];
	_ =	sdelay $0x3  }
0x96: {  	_ =	strace s5  }
0x97: {  	s5 =	sld [smem:$0x3FFD];
	_ =	sdelay $0x3  }
0x98: {  	_ =	strace s5  }
0x99: {  	_ =	strace $0x8FFFFFFF  }
0x9a: {  	s19 =	sld [smem:$0x3FDB];
	_ =	sdelay $0x1  }
0x9b: {  	s6 =	simm.s32 $_scs_section_size  }
0x9c: {  	s7 =	simm.s32 $_size__tile_overlayer_lowered;
	s8 =	simm.s32 $_tile_overlayer_lowered  }
0x9d: {  	s22 =	simm.s32 $0x1BFF;
	s21 =	sshll.u32 s8, $0x1;
	s5 =	sadd.s32 s6, s19  }
0x9e: {  	s9 =	simm.s32 $0x0;
	s20 =	sshll.u32 s7, $0x1;
	s7 =	sadd.s32 s21, s5  }
0x9f: {  	[timem:s9], [sflag:s22] =	dma.local [hbm:s7], s20  }
0xa0: {  	_ =	swait.ge [sflag:s22], s20  }
0xa1: {  	s6 =	ssub.s32 $0x0, s20;
	[sflag:s22] =	ssyncset.done $0x0  }
0xa2: {  	[sflag:s22] =	ssyncadd.s32 s6;
	_ =	sdelay $0x1  }
0xa3: {  	s23 =	simm.s32 $0x1B8B  }
0xa4: {  	_ =	swait.ge [sflag:s23], $0x1  }
0xa5: {  	[sflag:s23] =	ssyncset.done $0x0  }
0xa6: {  	s25 =	simm.s32 $0x1B8E;
	s24 =	sld [smem:$0x3FFE];
	[sflag:s23] =	ssyncadd.s32 $0xFFFFFFFF  }
0xa7: {  	s26 =	simm.s32 $execute0_lowered;
	[smem:$0x3FD2] =	sst s25  }
0xa8: {  	s7 =	sshll.u32 s26, $0x1;
	_ =	strace $0x80000046;
	[dreg:$0x1] =	wrdreg $0xFFFFFFFF  }
0xa9: {  	s28 =	simm.s32 $_size_execute0_lowered;
	s5 =	sadd.s32 s5, s7;
	[dreg:$0x0] =	wrdreg $0x0  }
0xaa: {  	s7 =	sshll.u32 s28, $0x1;
	[dreg:$0x2] =	wrdreg s5  }
0xab: {  	[dreg:$0x3] =	wrdreg s7  }
0xac: {  	[dreg:$0x4] =	wrdreg $0xC0  }
0xad: {  	_ =	task [dreg:s9], $0x5FFFF  }
0xae: {  	[dreg:$0x1] =	wrdreg $0xFFFFFFFF  }
0xaf: {  	[dreg:$0x0] =	wrdreg $0x60  }
0xb0: {  	[dreg:$0x2] =	wrdreg s2  }
0xb1: {  	[dreg:$0x3] =	wrdreg s24  }
0xb2: {  	[dreg:$0x4] =	wrdreg s18  }
0xb3: {  	[dreg:$0x5] =	wrdreg s4  }
0xb4: {  	[dreg:$0x6] =	wrdreg $0x177800  }
0xb5: {  	[dreg:$0x7] =	wrdreg $0x1BB800  }
0xb6: {  	[dreg:$0x8] =	wrdreg $0x9  }
0xb7: {  	_ =	task.clear_ibuf [dreg:s9], $0x9FFFF;
	_ =	strace $0x90000046  }
0xb8: {  	s29 =	simm.s32 $0x9;
	_ =	strace $0x80000048  }
0xb9: {  	_ =	swait.ge [sflag:s29], $0x1  }
0xba: {  	[sflag:s29] =	ssyncadd.s32 $0xFFFFFFFF  }
0xbb: {  	_ =	strace $0x90000048  }
0xbc: {  	_ =	sfence  }
0xbd: {  	s30 =	sld [smem:$0x0];
	_ =	sdelay $0x2  }
0xbe: {  	s31 =	sshll.u32 s1, $0xD;
	s1 =	sshrl.u32 s1, $0x2  }
0xbf: {  	s3 =	sand.u32 $0x4000, s31;
	s1 =	sadd.s32 s1, s30  }
0xc0: {  	s0 =	sor.u32 s3, s0;
	s1 =	sshll.u32 s1, $0x11  }
0xc1: {  	s0 =	sor.u32 s1, s0  }
0xc2: {  	s0 =	sadd.s32 $0x8F2B, s0  }
0xc3: {  	[sflag:s0] =	ssyncadd.remote.s32 $0x1  }
0xc4: {  	_ =	sfence.sel $0xFFFF  }
0xc5: {  	[dreg:$0x0] =	wrdreg $0xFFFFFFFF;
	(pc) =	sbr.abs _section_cstart, $3  }
0xc6: {  	[dreg:$0x1] =	wrdreg $0xFFFFFFFF  }
0xc7: {  	_ =	task.clear_ibuf [dreg:s9], $0x2FFFF;
	_ =	strace $0x9FFFFFFF  }
0xc8: {  	(tm) =	ssettm $0x7FFFFFFF  }
0xc9: {  	_ =	shalt  }
tec
execute0_lowered:
.L_overlay_start_1:
0x0: {  	(tag) =	ssettag $0x1  }
0x1: {  	s0 =	rddreg [dreg:$0x0]  }
0x2: {  	s1 =	rddreg [dreg:$0x1]  }
0x3: {  	s2 =	srdreg.scid;
	s5 =	rddreg [dreg:$0x4]  }
0x4: {  	s17 =	stileid.u32;
	s6 =	rddreg [dreg:$0x5]  }
0x5: {  	s7 =	simm.s32 $0x0;
	s21 =	simm.s32 $0x2;
	s22 =	simm.s32 $0xF700  }
0x6: {  	s23 =	simm.s32 $0x13700;
	s28 =	simm.s32 $0xA700;
	s29 =	simm.s32 $0x1  }
0x7: {  	s30 =	simm.s32 $0x80;
	s31 =	simm.s32 $0x17700;
	s2 =	sand.u32 $0x1, s2  }
0x8: {  	[smem:$0x7FF] =	sst s7;
	s8 =	sadd.s32 $0x15400, s1;
	s9 =	sadd.s32 $0x14E00, s1  }
0x9: {  	s11 =	sshll.u32 s17, $0xB;
	s13 =	smul.u32 $0x4400, s17;
	s10 =	sadd.s32 $0x14600, s1  }
0xa: {  	s3 =	sshll.u32 s2, $0x4;
	_ =	strace $0x80000047;
	s4 =	sshll.u32 s2, $0xF  }
0xb: {  	s2 =	ssub.s32 $0x2, s2;
	s3 =	sor.u32 s17, s3;
	s4 =	sor.u32 s11, s4  }
0xc: {  	s25 =	sshrl.u32 s2, $0x1;
	s26 =	sadd.s32 $0x4000, s13;
	s3 =	smul.u32 $0x4F0, s3  }
.Ltmp0:
0xd: {  	s11 =	sadd.s32 s13, s5;
	s13 =	sadd.s32 s13, s6;
	(pc) =	sbr.rel .LBB2_1-.Ltmp0, $4  }
0xe: {  	s17 =	sshll.u32 s17, $0x7;
	s2 =	ssub.s32 s2, s25;
	s12 =	sadd.s32 s26, s5  }
0xf: {  	s14 =	sadd.s32 s26, s6;
	s20 =	smax.u32 s2, $0x1;
	s3 =	sadd.s32 s3, s1  }
0x10: {  	s1 =	sadd.s32 s4, s1;
	s4 =	simm.s32 $0x0;
	s15 =	sadd.s32 $0xA00, s3  }
0x11: {  	v0 =	vlaneseq.u32;
	s16 =	sadd.s32 $0xA800, s3;
	s18 =	sadd.s32 $0x15A00, s1;
	s19 =	sadd.s32 $0x25A00, s1  }
.LBB2_10:
0x12: {  	[sflag:s21] =	ssyncadd.s32 $0xFFFFC000  }
.LBB2_11:
0x13: {  	[bflag:$0x0] =	sbarrier.arrive $0xFFFF  }
0x14: {  	v1 =	vld [tilespmem:s17+$0x2800];
	_ =	sdelay $0x7  }
0x15: {  	v1 =	vld.idx.msk [tilespmem:v1+s7+$0x0], $0xffff;
	_ =	sdelay $0x4  }
0x16: {  	[tilespmem:$0x17700] =	vst v1  }
0x17: {  	v1 =	vld [tilespmem:s17+$0x2810];
	_ =	sdelay $0x7  }
0x18: {  	v1 =	vld.idx.msk [tilespmem:v1+s7+$0x0], $0xffff;
	_ =	sdelay $0x4  }
0x19: {  	[tilespmem:$0x17710] =	vst v1  }
0x1a: {  	v1 =	vld [tilespmem:s17+$0x2820];
	_ =	sdelay $0x7  }
0x1b: {  	v1 =	vld.idx.msk [tilespmem:v1+s7+$0x0], $0xffff;
	_ =	sdelay $0x4  }
0x1c: {  	[tilespmem:$0x17720] =	vst v1  }
0x1d: {  	v1 =	vld [tilespmem:s17+$0x2830];
	_ =	sdelay $0x7  }
0x1e: {  	v1 =	vld.idx.msk [tilespmem:v1+s7+$0x0], $0xffff;
	_ =	sdelay $0x4  }
0x1f: {  	[tilespmem:$0x17730] =	vst v1  }
0x20: {  	v1 =	vld [tilespmem:s17+$0x2840];
	_ =	sdelay $0x7  }
0x21: {  	v1 =	vld.idx.msk [tilespmem:v1+s7+$0x0], $0xffff;
	_ =	sdelay $0x4  }
0x22: {  	[tilespmem:$0x17740] =	vst v1  }
0x23: {  	v1 =	vld [tilespmem:s17+$0x2850];
	_ =	sdelay $0x7  }
0x24: {  	v1 =	vld.idx.msk [tilespmem:v1+s7+$0x0], $0xffff;
	_ =	sdelay $0x4  }
0x25: {  	[tilespmem:$0x17750] =	vst v1  }
0x26: {  	v1 =	vld [tilespmem:s17+$0x2860];
	_ =	sdelay $0x7  }
0x27: {  	v1 =	vld.idx.msk [tilespmem:v1+s7+$0x0], $0xffff;
	_ =	sdelay $0x4  }
0x28: {  	[tilespmem:$0x17760] =	vst v1  }
0x29: {  	v1 =	vld [tilespmem:s17+$0x2870];
	_ =	sdelay $0x7  }
0x2a: {  	v1 =	vld.idx.msk [tilespmem:v1+s7+$0x0], $0xffff;
	_ =	sdelay $0x4  }
0x2b: {  	[tilespmem:$0x17770] =	vst v1  }
0x2c: {  	[tilespmem:s22], [sflag:$0x1] =	stream.indirect.gather [spmem:s5], $0x80, s31, s30, $0xb8;
	[tilespmem:$0x1FF80] =	vst v63  }
0x2d: {  	_ =	swait.ge [sflag:s29], $0x4000  }
0x2e: {  	[sflag:s29] =	ssyncset.done $0x0  }
0x2f: {  	[sflag:s29] =	ssyncadd.s32 $0xFFFFC000  }
0x30: {  	[hbm4b:s18+s7] =	stream.linear.scatter [tilespmem:s22], [sflag:$0x2], $0x4000, $0x38;
	[tilespmem:$0x1FF80] =	vst v63  }
0x31: {  	_ =	swait.ge [sflag:s21], $0x4000  }
0x32: {  	[sflag:s21] =	ssyncset.done $0x0  }
0x33: {  	[sflag:s21] =	ssyncadd.s32 $0xFFFFC000  }
0x34: {  	[tilespmem:s22], [sflag:$0x1] =	stream.indirect.gather [spmem:s6], $0x80, s31, s30, $0xb8;
	[tilespmem:$0x1FF80] =	vst v63  }
0x35: {  	s4 =	sadd.s32 $0x1, s4;
	_ =	swait.ge [sflag:s29], $0x4000  }
0x36: {  	p0 =	sne.s32 s4, s20;
	[sflag:s29] =	ssyncset.done $0x0  }
.Ltmp1:
0x37: {  	[sflag:s29] =	ssyncadd.s32 $0xFFFFC000;
	(pc) =	sbr.rel @!p0 .LBB2_12-.Ltmp1, $4  }
0x38: {  	[hbm4b:s19+s7] =	stream.linear.scatter [tilespmem:s22], [sflag:$0x2], $0x4000, $0x38;
	[tilespmem:$0x1FF80] =	vst v63  }
0x39: {  	_ =	swait.ge [sflag:s21], $0x4000  }
0x3a: {  	[sflag:s21] =	ssyncset.done $0x0  }
0x3b: {  	[sflag:s21] =	ssyncadd.s32 $0xFFFFC000  }
.LBB2_1:
0x3c: {  	[tilespmem:s7], [sflag:$0x2] =	stream.linear.gather [hbm4b:s8+s7], $0x2800, $0x38;
	[tilespmem:$0x1FF80] =	vst v63  }
0x3d: {  	_ =	swait.ge [sflag:s21], $0x2800  }
0x3e: {  	[sflag:s21] =	ssyncset.done $0x0  }
0x3f: {  	[sflag:s21] =	ssyncadd.s32 $0xFFFFD800  }
0x40: {  	s1 =	simm.s32 $0x2800;
	s2 =	rddreg [dreg:$0x2]  }
0x41: {  	[tilespmem:s1], [sflag:$0x2] =	stream.linear.gather [hbm4b:s2+s7], $0x800, $0x38;
	[tilespmem:$0x1FF80] =	vst v63  }
0x42: {  	_ =	swait.ge [sflag:s21], $0x800  }
0x43: {  	[sflag:s21] =	ssyncset.done $0x0  }
0x44: {  	[sflag:s21] =	ssyncadd.s32 $0xFFFFF800  }
0x45: {  	s3 =	simm.s32 $0x0;
	s2 =	simm.s32 $0x10;
	v1 =	vld [tilespmem:s1+$0x0]  }
.LBB2_2:
0x46: {  	p0 =	sne.s32 s2, $0x7F0;
	_ =	sdelay $0x3  }
.Ltmp2:
0x47: {  	(pc) =	sbr.rel @p0 .LBB2_2-.Ltmp2, $4  }
0x48: {  	_ = 	snop  }
0x49: {  	v2 =	vor.u32 s3, v0;
	s3 =	smov.u32 s2  }
0x4a: {  	s1 =	sadd.s32 $0x10, s1;
	[tilespmem:v1+s7+$0x0] =	vst.idx.msk $0xffff, v2  }
0x4b: {  	s2 =	sadd.s32 $0x10, s2;
	v1 =	vld [tilespmem:s1+$0x0]  }
0x4c: {  	_ =	sdelay $0x6  }
0x4d: {  	v2 =	vor.u32 s3, v0  }
0x4e: {  	s2 =	simm.s32 $0x0;
	[tilespmem:v1+s7+$0x0] =	vst.idx.msk $0xffff, v2  }
0x4f: {  	[tilespmem:s22], [sflag:$0x2] =	stream.linear.gather [hbm4b:s10+s2], $0x4000, $0x38;
	[tilespmem:$0x1FF80] =	vst v63  }
0x50: {  	_ =	swait.ge [sflag:s21], $0x4000  }
0x51: {  	[sflag:s21] =	ssyncset.done $0x0  }
0x52: {  	[sflag:s21] =	ssyncadd.s32 $0xFFFFC000  }
0x53: {  	[spmem:s11] =	stream.linear.scatter [tilespmem:s22], [sflag:$0x2], $0x4000, $0x38;
	[tilespmem:$0x1FF80] =	vst v63  }
0x54: {  	_ =	swait.ge [sflag:s21], $0x4000  }
0x55: {  	[sflag:s21] =	ssyncset.done $0x0  }
0x56: {  	[sflag:s21] =	ssyncadd.s32 $0xFFFFC000  }
0x57: {  	[spmem:s12] =	stream.linear.scatter [tilespmem:s22], [sflag:$0x2], $0x400, $0x38;
	[tilespmem:$0x1FF80] =	vst v63  }
0x58: {  	_ =	swait.ge [sflag:s21], $0x400  }
0x59: {  	[sflag:s21] =	ssyncset.done $0x0  }
0x5a: {  	[sflag:s21] =	ssyncadd.s32 $0xFFFFFC00  }
0x5b: {  	[spmem:s13] =	stream.linear.scatter [tilespmem:s22], [sflag:$0x2], $0x4000, $0x38;
	[tilespmem:$0x1FF80] =	vst v63  }
0x5c: {  	_ =	swait.ge [sflag:s21], $0x4000  }
0x5d: {  	[sflag:s21] =	ssyncset.done $0x0  }
0x5e: {  	[sflag:s21] =	ssyncadd.s32 $0xFFFFC000  }
0x5f: {  	[spmem:s14] =	stream.linear.scatter [tilespmem:s22], [sflag:$0x2], $0x400, $0x38;
	[tilespmem:$0x1FF80] =	vst v63  }
0x60: {  	_ =	swait.ge [sflag:s21], $0x400  }
0x61: {  	[sflag:s21] =	ssyncset.done $0x0  }
0x62: {  	[sflag:s21] =	ssyncadd.s32 $0xFFFFFC00  }
0x63: {  	s1 =	rddreg [dreg:$0x3]  }
0x64: {  	[tilespmem:s23], [sflag:$0x2] =	stream.linear.gather [hbm4b:s1+s2], $0x4000, $0x38;
	[tilespmem:$0x1FF80] =	vst v63  }
0x65: {  	_ =	swait.ge [sflag:s21], $0x4000  }
0x66: {  	[sflag:s21] =	ssyncset.done $0x0  }
0x67: {  	s3 =	simm.s32 $0x3000;
	[sflag:s21] =	ssyncadd.s32 $0xFFFFC000  }
0x68: {  	[tilespmem:s3], [sflag:$0x2] =	stream.linear.gather [hbm4b:s15+s2], $0x2780, $0x38;
	[tilespmem:$0x1FF80] =	vst v63  }
0x69: {  	_ =	swait.ge [sflag:s21], $0x2780  }
0x6a: {  	[sflag:s21] =	ssyncset.done $0x0  }
0x6b: {  	s24 =	simm.s32 $0x5780;
	[sflag:s21] =	ssyncadd.s32 $0xFFFFD880  }
0x6c: {  	[tilespmem:s24], [sflag:$0x2] =	stream.linear.gather [hbm4b:s16+s2], $0x2780, $0x38;
	[tilespmem:$0x1FF80] =	vst v63  }
0x6d: {  	_ =	swait.ge [sflag:s21], $0x2780  }
0x6e: {  	[sflag:s21] =	ssyncset.done $0x0  }
0x6f: {  	s25 =	simm.s32 $0x7F00;
	[sflag:s21] =	ssyncadd.s32 $0xFFFFD880  }
0x70: {  	[tilespmem:s25], [sflag:$0x2] =	stream.linear.gather [hbm4b:s9+s2], $0x2800, $0x38;
	[tilespmem:$0x1FF80] =	vst v63  }
0x71: {  	_ =	swait.ge [sflag:s21], $0x2800  }
0x72: {  	[sflag:s21] =	ssyncset.done $0x0  }
0x73: {  	[sflag:s21] =	ssyncadd.s32 $0xFFFFD800  }
0x74: {  	[tilespmem:s28], [sflag:$0x2] =	stream.linear.gather [hbm4b:s8+s2], $0x2800, $0x38;
	[tilespmem:$0x1FF80] =	vst v63  }
0x75: {  	_ =	swait.ge [sflag:s21], $0x2800  }
0x76: {  	[sflag:s21] =	ssyncset.done $0x0  }
0x77: {  	[sflag:s21] =	ssyncadd.s32 $0xFFFFD800  }
0x78: {  	s26 =	simm.s32 $0x0;
	[bflag:$0x0] =	sbarrier.arrive $0xFFFF  }
0x79: {  	v1 =	vld [tilespmem:s26+$0x5780];
	_ =	sdelay $0x7  }
0x7a: {  	v1 =	vld.idx.msk [tilespmem:v1+s7+$0x0], $0xffff;
	_ =	sdelay $0x2  }
0x7b: {  	v2 =	vld [tilespmem:s26+$0x3000];
	_ =	sdelay $0x1  }
0x7c: {  	vm0 =	vlt.s32 v1, $0x800  }
0x7d: {  	v3 =	vmpcnt.ones.xlane vm0  }
0x7e: {  	[tilespmem:s2+$0xA700] =	vst.msk vm0, v1  }
0x7f: {  	s1 =	simm.s32 $0x10;
	s3 =	simm.s32 $0x80;
	[tilespmem:s2+$0x7F00] =	vst.msk vm0, v2;
	(v2sf) =	vpush v3, $0x0  }
.LBB2_4:
0x80: {  	p0 =	sne.s32 s3, $0x9DC0;
	v1 =	vld [tilespmem:s1+$0x5780];
	_ =	sdelay $0x7  }
0x81: {  	v1 =	vld.idx.msk [tilespmem:v1+s7+$0x0], $0xffff;
	_ =	sdelay $0x3  }
0x82: {  	v2 =	vld [tilespmem:s1+$0x3000]  }
.Ltmp3:
0x83: {  	(pc) =	sbr.rel @p0 .LBB2_4-.Ltmp3, $4  }
0x84: {  	vm0 =	vlt.s32 v1, $0x800;
	s1 =	spop (v2sf)  }
0x85: {  	v3 =	vmpcnt.ones.xlane vm0;
	s2 =	sadd.s32 s2, s1  }
0x86: {  	[tilespmem:s2+$0xA700] =	vst.msk vm0, v1  }
0x87: {  	s1 =	sshra.s32 s3, $0x2;
	s3 =	sadd.s32 $0x40, s3;
	[tilespmem:s2+$0x7F00] =	vst.msk vm0, v2;
	(v2sf) =	vpush v3, $0x0  }
0x88: {  	v1 =	vld [tilespmem:s1+$0x5780];
	_ =	sdelay $0x7  }
0x89: {  	v1 =	vld.idx.msk [tilespmem:v1+s7+$0x0], $0xffff;
	_ =	sdelay $0x4  }
0x8a: {  	vm0 =	vlt.s32 v1, $0x800  }
0x8b: {  	v2 =	vmpcnt.ones.xlane vm0;
	_ =	sdelay $0x1  }
0x8c: {  	(v2sf) =	vpush v2, $0x0;
	_ =	sdelay $0xd  }
0x8d: {  	s3 =	spop (v2sf)  }
0x8e: {  	s3 =	sadd.s32 s2, s3;
	s24 =	spop (v2sf)  }
0x8f: {  	s2 =	sadd.s32 s3, s24  }
0x90: {  	s2 =	sadd.s32 $0x7F, s2  }
0x91: {  	s24 =	sand.u32 $0x7F, s2  }
0x92: {  	s25 =	sshra.s32 s2, $0x1F;
	p1 =	slt.s32 s2, $0x1;
	p0 =	sne.s32 s24, $0x0  }
0x93: {  	s26 =	sshrl.u32 s25, $0x19;
	p0 =	por !p1, !p0  }
0x94: {  	v2 =	vld [tilespmem:s1+$0x3000];
	s1 =	sadd.s32 s26, s2;
	s2 =	simm.s32 $0x1;
	p0 =	por !p0, !p0  }
0x95: {  	s1 =	sshra.s32 s1, $0x7;
	s2 =	simm.s32 @!p0 $0x0  }
0x96: {  	s2 =	ssub.s32 s1, s2  }
0x97: {  	p0 =	slt.s32 s2, $0x1  }
.Ltmp4:
0x98: {  	_ = 	snop;
	(pc) =	sbr.rel @p0 .LBB2_11-.Ltmp4, $3  }
0x99: {  	_ =	sdelay $0x1  }
0x9a: {  	[tilespmem:s3+$0xA700] =	vst.msk vm0, v1  }
0x9b: {  	[tilespmem:s3+$0x7F00] =	vst.msk vm0, v2  }
0x9c: {  	s3 =	sshll.u32 s2, $0x3  }
0x9d: {  	s24 =	simm.s32 $0x0;
	p0 =	sne.s32 s3, $0x1  }
.Ltmp5:
0x9e: {  	v1 =	vld [tilespmem:s24+$0xA700];
	(pc) =	sbr.rel @!p0 .LBB2_8-.Ltmp5, $4  }
0x9f: {  	s1 =	simm.s32 $0x0  }
0xa0: {  	s25 =	sand.u32 $0xFFFFFE00, s1  }
0xa1: {  	s26 =	sand.u32 $0x70, s1;
	s25 =	sshra.s32 s25, $0x2  }
0xa2: {  	s3 =	sadd.s32 $0xFFFFFFFF, s3;
	s24 =	simm.s32 $0x40;
	s25 =	sor.u32 s26, s25  }
.LBB2_7:
0xa3: {  	s26 =	sshra.s32 s24, $0x2;
	p0 =	sne.s32 s3, $0x1;
	s3 =	sadd.s32 $0xFFFFFFFF, s3;
	[tilespmem:s25+$0xCF00] =	vst v1  }
.Ltmp6:
0xa4: {  	v1 =	vld [tilespmem:s26+$0xA700];
	(pc) =	sbr.rel @p0 .LBB2_7-.Ltmp6, $4  }
0xa5: {  	_ = 	snop  }
0xa6: {  	s25 =	sand.u32 $0xFFFFFE00, s24;
	s1 =	sadd.s32 $0x10, s1  }
0xa7: {  	s26 =	sand.u32 $0x70, s1;
	s25 =	sshra.s32 s25, $0x2  }
0xa8: {  	s24 =	sadd.s32 $0x40, s24;
	s25 =	sor.u32 s26, s25  }
.LBB2_8:
0xa9: {  	[tilespmem:s25+$0xCF00] =	vst v1;
	s1 =	simm.s32 $0x7F00  }
0xaa: {  	[tilespmem:s22], [sflag:$0x1] =	stream.indirect.gather [hbm4b:s0+s30], $0x80, s1, s30, $0xb8;
	[tilespmem:$0x1FF80] =	vst v63  }
0xab: {  	_ =	swait.ge [sflag:s29], $0x4000  }
0xac: {  	[sflag:s29] =	ssyncset.done $0x0  }
0xad: {  	s3 =	simm.s32 $0xCF00;
	[sflag:s29] =	ssyncadd.s32 $0xFFFFC000  }
0xae: {  	[spmem:s5] =	stream.indirect.scatter.add.f32 [tilespmem:s22], [sflag:$0x2], $0x80, s3, s30, $0xb8;
	[tilespmem:$0x1FF80] =	vst v63  }
0xaf: {  	p0 =	sne.s32 s2, $0x1;
	_ =	swait.ge [sflag:s21], $0x4000  }
.Ltmp7:
0xb0: {  	[sflag:s21] =	ssyncset.done $0x0;
	(pc) =	sbr.rel @!p0 .LBB2_10-.Ltmp7, $4  }
0xb1: {  	[sflag:s21] =	ssyncadd.s32 $0xFFFFC000  }
0xb2: {  	[spmem:s6] =	stream.indirect.scatter.add.f32 [tilespmem:s23], [sflag:$0x2], $0x80, s3, s30, $0xb8;
	[tilespmem:$0x1FF80] =	vst v63  }
0xb3: {  	_ =	swait.ge [sflag:s21], $0x4000  }
0xb4: {  	s2 =	sadd.s32 $0xFFFFFFFF, s2;
	[sflag:s21] =	ssyncset.done $0x0  }
.LBB2_9:
0xb5: {  	[sflag:s21] =	ssyncadd.s32 $0xFFFFC000;
	s3 =	sadd.s32 $0x80, s3;
	s1 =	sadd.s32 $0x80, s1  }
0xb6: {  	[tilespmem:s22], [sflag:$0x1] =	stream.indirect.gather [hbm4b:s0+s30], $0x80, s1, s30, $0xb8;
	[tilespmem:$0x1FF80] =	vst v63  }
0xb7: {  	p0 =	sne.s32 s2, $0x1;
	s2 =	sadd.s32 $0xFFFFFFFF, s2;
	_ =	swait.ge [sflag:s29], $0x4000  }
0xb8: {  	[sflag:s29] =	ssyncset.done $0x0  }
0xb9: {  	[sflag:s29] =	ssyncadd.s32 $0xFFFFC000  }
0xba: {  	[spmem:s5] =	stream.indirect.scatter.add.f32 [tilespmem:s22], [sflag:$0x2], $0x80, s3, s30, $0xb8;
	[tilespmem:$0x1FF80] =	vst v63  }
0xbb: {  	_ =	swait.ge [sflag:s21], $0x4000  }
.Ltmp8:
0xbc: {  	[sflag:s21] =	ssyncset.done $0x0;
	(pc) =	sbr.rel @p0 .LBB2_9-.Ltmp8, $4  }
0xbd: {  	[sflag:s21] =	ssyncadd.s32 $0xFFFFC000  }
0xbe: {  	[spmem:s6] =	stream.indirect.scatter.add.f32 [tilespmem:s23], [sflag:$0x2], $0x80, s3, s30, $0xb8;
	[tilespmem:$0x1FF80] =	vst v63  }
0xbf: {  	_ =	swait.ge [sflag:s21], $0x4000  }
0xc0: {  	[sflag:s21] =	ssyncset.done $0x0  }
.Ltmp9:
0xc1: {  	_ = 	snop;
	(pc) =	sbr.rel .LBB2_10-.Ltmp9, $1  }
0xc2: {  	_ =	sdelay $0x3  }
.LBB2_12:
0xc3: {  	_ =	sfence.sel $0x180000  }
0xc4: {  	[bflag:$0x0] =	sbarrier.arrive $0xFFFF  }
0xc5: {  	_ =	strace $0x90000047  }
0xc6: {  	s0 =	stileid.u32;
	[bflag:$0x2] =	sbarrier.arrive $0xFFFF  }
0xc7: {  	p0 =	sne.s32 s0, $0x0;
	s0 =	rddreg [dreg:$0x6]  }
0xc8: {  	s0 =	sadd.s32 @!p0 $0x100000, s0  }
0xc9: {  	[sflag:s0] =	ssyncadd.tile.s32 @!p0 $0x1;
	_ =	shalt  }
.Lfunc_end2:
_tile_overlayer_lowered:
.L_overlay_start_2:
0xca: {  	(tag) =	ssettag $0x2  }
0xcb: {  	s0 =	rddreg [dreg:$0x0];
	s2 =	stileid.u32  }
0xcc: {  	s1 =	rddreg [dreg:$0x1];
	p0 =	sne.s32 s2, $0x0  }
0xcd: {  	s3 =	rddreg [dreg:$0x2];
	[bflag:$0x3] =	sbarrier.arrive $0xFFFF;
	s2 =	simm.s32 @!p0 $0x1C02  }
0xce: {  	[timem:s3], [sflag:s2] =	dma.local @!p0 [hbm:s0], s1  }
0xcf: {  	s0 =	simm.s32 @!p0 $0x2  }
0xd0: {  	_ =	swait.ge @!p0 [sflag:s0], s1  }
0xd1: {  	s1 =	ssub.s32 @!p0 $0x0, s1;
	[sflag:s0] =	ssyncset.done @!p0 $0x0  }
0xd2: {  	[sflag:s0] =	ssyncadd.s32 @!p0 s1  }
0xd3: {  	[bflag:$0x3] =	sbarrier.arrive $0xFFFF  }
0xd4: {  	_ =	shalt  }

</sc_bundles>
